<compile_context>
chip_gen: v7x
topology: tpu7x:2x2x1
jax: 0.10.2.dev20260603
libtpu: 0.0.44.dev20260713+nightly
codegen_flags: <defaults>
</compile_context>

<pallas_src>
import functools

import jax
import jax.numpy as jnp
from jax import lax
from jax.experimental import pallas as pl
from jax.experimental.pallas import tpu as pltpu
from jax.experimental.pallas import tpu_sc as plsc

_CODEBOOK = 8192
_DIM = 32
_COMMIT = 0.25


@functools.lru_cache(maxsize=None)
def _build_gather_st_loss(n_rows):
    info = plsc.get_sparse_core_info()
    nc, ns = info.num_cores, info.num_subcores
    nw = nc * ns
    per_w = n_rows // nw
    n_idxv = per_w // 128
    chunk = 512
    n_chunk = per_w // chunk
    g_per_chunk = chunk // 128
    mesh = plsc.VectorSubcoreMesh(core_axis_name="c", subcore_axis_name="s")

    @functools.partial(
        pl.kernel, mesh=mesh,
        out_type=(jax.ShapeDtypeStruct((n_rows, _DIM), jnp.float32),
                  jax.ShapeDtypeStruct((nw, 16), jnp.float32)),
        compiler_params=pltpu.CompilerParams(use_tc_tiling_on_sc=False),
        scratch_types=[
            pltpu.VMEM((n_idxv, 128), jnp.int32),
            pltpu.VMEM((2, chunk, _DIM), jnp.float32),
            pltpu.VMEM((2, chunk, _DIM), jnp.float32),
            pltpu.VMEM((16,), jnp.float32),
            pltpu.SemaphoreType.DMA,
            pltpu.SemaphoreType.DMA,
            pltpu.SemaphoreType.DMA,
        ],
    )
    def gather_st_loss(idx_hbm, table_hbm, z_hbm, out_hbm, part_hbm,
                       idx_v, rows_v, z_v, acc_v, sem_g, sem_z, sem_o):
        wid = lax.axis_index("s") * nc + lax.axis_index("c")
        base = wid * per_w
        pltpu.sync_copy(idx_hbm.at[pl.ds(wid * n_idxv, n_idxv)], idx_v)
        acc_v[...] = jnp.zeros((16,), jnp.float32)

        def start_chunk(c):
            buf = c % 2
            gs = [
                pltpu.async_copy(
                    table_hbm.at[idx_v.at[c * g_per_chunk + j]],
                    rows_v.at[buf].at[pl.ds(j * 128, 128)], sem_g)
                for j in range(g_per_chunk)
            ]
            zc = pltpu.async_copy(
                z_hbm.at[pl.ds(base + c * chunk, chunk)], z_v.at[buf], sem_z)
            return gs, zc

        pending = start_chunk(0)
        out_copies = [None, None]
        for c in range(n_chunk):
            buf = c % 2
            nxt = None
            if c + 1 < n_chunk:
                if out_copies[(c + 1) % 2] is not None:
                    out_copies[(c + 1) % 2].wait()
                    out_copies[(c + 1) % 2] = None
                nxt = start_chunk(c + 1)
            gs, zc = pending
            for cp in gs:
                cp.wait()
            zc.wait()

            def body(r, carry):
                a0, a1 = carry
                d0 = rows_v[buf, r, pl.ds(0, 16)] - z_v[buf, r, pl.ds(0, 16)]
                d1 = rows_v[buf, r, pl.ds(16, 16)] - z_v[buf, r, pl.ds(16, 16)]
                return a0 + d0 * d0, a1 + d1 * d1

            a0, a1 = lax.fori_loop(
                0, chunk, body,
                (jnp.zeros((16,), jnp.float32), jnp.zeros((16,), jnp.float32)))
            acc_v[...] = acc_v[...] + (a0 + a1)
            out_copies[buf] = pltpu.async_copy(
                rows_v.at[buf], out_hbm.at[pl.ds(base + c * chunk, chunk)],
                sem_o)
            pending = nxt
        for oc in out_copies:
            if oc is not None:
                oc.wait()
        pltpu.sync_copy(acc_v, part_hbm.at[wid])

    return gather_st_loss


def _loss_reduce(partials, n_elems):
    def body(part_ref, loss_ref):
        m = jnp.sum(part_ref[...]) / n_elems
        loss_ref[...] = (m + _COMMIT * m).reshape(1, 1)

    return pl.pallas_call(
        body,
        out_shape=jax.ShapeDtypeStruct((1, 1), jnp.float32),
    )(partials)


def kernel(z, embeddings):
    b, t, d = z.shape
    n = b * t
    z_flat = z.reshape(-1, d)
    distances = (jnp.sum(z_flat ** 2, axis=1, keepdims=True)
                 - 2.0 * jnp.matmul(z_flat, embeddings.T)
                 + jnp.sum(embeddings ** 2, axis=1))
    indices = jnp.argmin(distances, axis=1)
    q_st, partials = _build_gather_st_loss(n)(
        indices.reshape(n // 128, 128), embeddings, z_flat)
    loss = _loss_reduce(partials, float(n * d))[0, 0]
    return q_st.reshape(b, t, d), indices.reshape(b, t), loss

# --- scband reference (transcript-rebuilt; emitter-appended) ---
"""Pipeline reference for scband-vector-quantizer-43147241456162 (READ-ONLY COPY).

The authoritative reference and input builder live on the scoring server;
editing this copy changes nothing except your own understanding.
"""

import jax, jax.numpy as jnp
import numpy as np

CODEBOOK_SIZE = 8192
LATENT_DIM = 32
COMMITMENT_COST = 0.25


def setup_inputs(seed: int = 0) -> dict:
    key = jax.random.key(seed)
    k1, k2 = jax.random.split(key)
    z = jax.random.normal(k1, (64, 1024, LATENT_DIM), dtype=jnp.float32)
    embeddings = jax.random.uniform(
        k2, (CODEBOOK_SIZE, LATENT_DIM), dtype=jnp.float32,
        minval=-1.0 / CODEBOOK_SIZE, maxval=1.0 / CODEBOOK_SIZE)
    return {"z": z, "embeddings": embeddings}


def reference(z, embeddings):
    B, T, D = z.shape
    z_flat = z.reshape(-1, D)
    distances = (jnp.sum(z_flat ** 2, axis=1, keepdims=True)
                 - 2.0 * jnp.matmul(z_flat, embeddings.T)
                 + jnp.sum(embeddings ** 2, axis=1))
    indices = jnp.argmin(distances, axis=1)
    quantized_flat = jnp.take(embeddings, indices, axis=0)
    quantized = quantized_flat.reshape(B, T, D)
    commitment_loss = jnp.mean((z - jax.lax.stop_gradient(quantized)) ** 2)
    codebook_loss = jnp.mean((quantized - jax.lax.stop_gradient(z)) ** 2)
    loss = codebook_loss + COMMITMENT_COST * commitment_loss
    quantized_st = z + jax.lax.stop_gradient(quantized - z)
    return (quantized_st, indices.reshape(B, T), loss)

if __name__ == "__main__":
    import jax
    _d = setup_inputs()
    print(jax.jit(kernel)(*tuple(_d.values())))

</pallas_src>

<mosaic_0001>
#map = affine_map<(d0, d1) -> (0, 0)>
module attributes {stable_mosaic.version = 14 : i64} {
  func.func @gather_st_loss(%arg0: i32, %arg1: i32, %arg2: memref<512x128xi32, #tpu.memory_space<hbm>>, %arg3: memref<8192x32xf32, #tpu.memory_space<hbm>>, %arg4: memref<65536x32xf32, #tpu.memory_space<hbm>>, %arg5: memref<65536x32xf32, #tpu.memory_space<hbm>>, %arg6: memref<32x16xf32, #tpu.memory_space<hbm>>, %arg7: memref<16x128xi32, #tpu.memory_space<vmem>>, %arg8: memref<2x512x32xf32, #tpu.memory_space<vmem>>, %arg9: memref<2x512x32xf32, #tpu.memory_space<vmem>>, %arg10: memref<16xf32, #tpu.memory_space<vmem>>, %arg11: memref<!tpu.dma_semaphore, #tpu.memory_space<semaphore_mem>>, %arg12: memref<!tpu.dma_semaphore, #tpu.memory_space<semaphore_mem>>, %arg13: memref<!tpu.dma_semaphore, #tpu.memory_space<semaphore_mem>>) attributes {dimension_semantics = [#tpu.dimension_semantics<core_parallel>, #tpu.dimension_semantics<subcore_parallel>], iteration_bounds = array<i64: 2, 16>, scalar_prefetch = 0 : i64, scratch_operands = 7 : i64, tpu.core_type = #tpu.core_type<sc_vector_subcore>, window_params = [{transform_indices = #map}, {transform_indices = #map}, {transform_indices = #map}, {transform_indices = #map}, {transform_indices = #map}]} {
    %mul3A = arith.constant 2 : i32
    %mul3A_0 = arith.muli %arg1, %mul3A : i32
    %add3A = arith.addi %mul3A_0, %arg0 : i32
    %mul3A_1 = arith.constant 2048 : i32
    %mul3A_2 = arith.muli %add3A, %mul3A_1 : i32
    %mul3A_3 = arith.constant 16 : i32
    %mul3A_4 = arith.muli %add3A, %mul3A_3 : i32
    "tpu.region"() ({
      %run_scoped3A = tpu.sem_alloc : memref<!tpu.dma_semaphore, #tpu.memory_space<semaphore_mem>>
      %dma_start3A_785 = arith.constant 0 : i32
      %dma_start3A_786 = tpu.memref_slice %arg2[%mul3A_4, %dma_start3A_785] : memref<512x128xi32, #tpu.memory_space<hbm>> -> memref<16x128xi32, #tpu.memory_space<hbm>>
      %dma_start3A_787 = arith.constant 0 : i32
      %dma_start3A_788 = tpu.memref_slice %arg2[%mul3A_4, %dma_start3A_787] : memref<512x128xi32, #tpu.memory_space<hbm>> -> memref<16x128xi32, #tpu.memory_space<hbm>>
      tpu.enqueue_dma source(%dma_start3A_788 : memref<16x128xi32, #tpu.memory_space<hbm>>) target(%arg7 : memref<16x128xi32, #tpu.memory_space<vmem>>) target_semaphore(%run_scoped3A : memref<!tpu.dma_semaphore, #tpu.memory_space<semaphore_mem>>)
      %dma_wait3A_789 = arith.constant 0 : i32
      %dma_wait3A_790 = tpu.memref_slice %arg2[%mul3A_4, %dma_wait3A_789] : memref<512x128xi32, #tpu.memory_space<hbm>> -> memref<16x128xi32, #tpu.memory_space<hbm>>
      %dma_wait3A_791 = arith.constant 0 : i32
      %dma_wait3A_792 = tpu.memref_slice %arg2[%mul3A_4, %dma_wait3A_791] : memref<512x128xi32, #tpu.memory_space<hbm>> -> memref<16x128xi32, #tpu.memory_space<hbm>>
      tpu.wait_dma2 semaphore(%run_scoped3A : memref<!tpu.dma_semaphore, #tpu.memory_space<semaphore_mem>>) src(%dma_wait3A_792 : memref<16x128xi32, #tpu.memory_space<hbm>>) dst(%arg7 : memref<16x128xi32, #tpu.memory_space<vmem>>)
      tpu.yield
    }) : () -> ()
    %broadcast_in_dim3A = arith.constant 0.000000e+00 : f32
    %broadcast_in_dim3A_5 = vector.broadcast %broadcast_in_dim3A : f32 to vector<16xf32>
    %swap3A = arith.constant 0 : index
    %swap3A_6 = tpu.vector_load %arg10[%swap3A] {strides = array<i32>} : memref<16xf32, #tpu.memory_space<vmem>>, vector<16xf32>,
    %swap3A_7 = vector.shape_cast %swap3A_6 : vector<16xf32> to vector<16xf32>
    %swap3A_8 = vector.shape_cast %broadcast_in_dim3A_5 : vector<16xf32> to vector<16xf32>
    tpu.vector_store %arg10[%swap3A], %swap3A_8 {strides = array<i32>} : memref<16xf32, #tpu.memory_space<vmem>>, vector<16xf32>,
    %dma_start3A = arith.constant 0 : i32
    %dma_start3A_9 = arith.constant 0 : i32
    %dma_start3A_10 = arith.constant 0 : i32
    %dma_start3A_11 = arith.constant 0 : i32
    %dma_start3A_12 = tpu.memref_slice %arg8[%dma_start3A_9, %dma_start3A_10, %dma_start3A_11] : memref<2x512x32xf32, #tpu.memory_space<vmem>> -> memref<1x512x32xf32, #tpu.memory_space<vmem>>
    %dma_start3A_13 = tpu.memref_squeeze %dma_start3A_12 : memref<1x512x32xf32, #tpu.memory_space<vmem>> -> memref<512x32xf32, #tpu.memory_space<vmem>>
    %dma_start3A_14 = arith.constant 0 : i32
    %dma_start3A_15 = arith.constant 0 : i32
    %dma_start3A_16 = tpu.memref_slice %dma_start3A_13[%dma_start3A_14, %dma_start3A_15] : memref<512x32xf32, #tpu.memory_space<vmem>> -> memref<128x32xf32, #tpu.memory_space<vmem>>
    %dma_start3A_17 = arith.constant 0 : i32
    %dma_start3A_18 = tpu.memref_slice %arg7[%dma_start3A, %dma_start3A_17] : memref<16x128xi32, #tpu.memory_space<vmem>> -> memref<1x128xi32, #tpu.memory_space<vmem>>
    %dma_start3A_19 = tpu.memref_squeeze %dma_start3A_18 : memref<1x128xi32, #tpu.memory_space<vmem>> -> memref<128xi32, #tpu.memory_space<vmem>>
    %dma_start3A_20 = arith.constant 0 : i32
    %dma_start3A_21 = arith.constant 0 : i32
    %dma_start3A_22 = tpu.memref_slice %arg3[%dma_start3A_20, %dma_start3A_21] : memref<8192x32xf32, #tpu.memory_space<hbm>> -> memref<8192x32xf32, #tpu.memory_space<hbm>>
    tpu.enqueue_indirect_dma source(%dma_start3A_22 : memref<8192x32xf32, #tpu.memory_space<hbm>>) target(%dma_start3A_16 : memref<128x32xf32, #tpu.memory_space<vmem>>) offsets(%dma_start3A_19 : memref<128xi32, #tpu.memory_space<vmem>>) semaphore(%arg11 : memref<!tpu.dma_semaphore, #tpu.memory_space<semaphore_mem>>)
    %dma_start3A_23 = arith.constant 1 : i32
    %dma_start3A_24 = arith.constant 0 : i32
    %dma_start3A_25 = arith.constant 0 : i32
    %dma_start3A_26 = arith.constant 0 : i32
    %dma_start3A_27 = tpu.memref_slice %arg8[%dma_start3A_24, %dma_start3A_25, %dma_start3A_26] : memref<2x512x32xf32, #tpu.memory_space<vmem>> -> memref<1x512x32xf32, #tpu.memory_space<vmem>>
    %dma_start3A_28 = tpu.memref_squeeze %dma_start3A_27 : memref<1x512x32xf32, #tpu.memory_space<vmem>> -> memref<512x32xf32, #tpu.memory_space<vmem>>
    %dma_start3A_29 = arith.constant 128 : i32
    %dma_start3A_30 = arith.constant 0 : i32
    %dma_start3A_31 = tpu.memref_slice %dma_start3A_28[%dma_start3A_29, %dma_start3A_30] : memref<512x32xf32, #tpu.memory_space<vmem>> -> memref<128x32xf32, #tpu.memory_space<vmem>>
    %dma_start3A_32 = arith.constant 0 : i32
    %dma_start3A_33 = tpu.memref_slice %arg7[%dma_start3A_23, %dma_start3A_32] : memref<16x128xi32, #tpu.memory_space<vmem>> -> memref<1x128xi32, #tpu.memory_space<vmem>>
    %dma_start3A_34 = tpu.memref_squeeze %dma_start3A_33 : memref<1x128xi32, #tpu.memory_space<vmem>> -> memref<128xi32, #tpu.memory_space<vmem>>
    %dma_start3A_35 = arith.constant 0 : i32
    %dma_start3A_36 = arith.constant 0 : i32
    %dma_start3A_37 = tpu.memref_slice %arg3[%dma_start3A_35, %dma_start3A_36] : memref<8192x32xf32, #tpu.memory_space<hbm>> -> memref<8192x32xf32, #tpu.memory_space<hbm>>
    tpu.enqueue_indirect_dma source(%dma_start3A_37 : memref<8192x32xf32, #tpu.memory_space<hbm>>) target(%dma_start3A_31 : memref<128x32xf32, #tpu.memory_space<vmem>>) offsets(%dma_start3A_34 : memref<128xi32, #tpu.memory_space<vmem>>) semaphore(%arg11 : memref<!tpu.dma_semaphore, #tpu.memory_space<semaphore_mem>>)
    %dma_start3A_38 = arith.constant 2 : i32
    %dma_start3A_39 = arith.constant 0 : i32
    %dma_start3A_40 = arith.constant 0 : i32
    %dma_start3A_41 = arith.constant 0 : i32
    %dma_start3A_42 = tpu.memref_slice %arg8[%dma_start3A_39, %dma_start3A_40, %dma_start3A_41] : memref<2x512x32xf32, #tpu.memory_space<vmem>> -> memref<1x512x32xf32, #tpu.memory_space<vmem>>
    %dma_start3A_43 = tpu.memref_squeeze %dma_start3A_42 : memref<1x512x32xf32, #tpu.memory_space<vmem>> -> memref<512x32xf32, #tpu.memory_space<vmem>>
    %dma_start3A_44 = arith.constant 256 : i32
    %dma_start3A_45 = arith.constant 0 : i32
    %dma_start3A_46 = tpu.memref_slice %dma_start3A_43[%dma_start3A_44, %dma_start3A_45] : memref<512x32xf32, #tpu.memory_space<vmem>> -> memref<128x32xf32, #tpu.memory_space<vmem>>
    %dma_start3A_47 = arith.constant 0 : i32
    %dma_start3A_48 = tpu.memref_slice %arg7[%dma_start3A_38, %dma_start3A_47] : memref<16x128xi32, #tpu.memory_space<vmem>> -> memref<1x128xi32, #tpu.memory_space<vmem>>
    %dma_start3A_49 = tpu.memref_squeeze %dma_start3A_48 : memref<1x128xi32, #tpu.memory_space<vmem>> -> memref<128xi32, #tpu.memory_space<vmem>>
    %dma_start3A_50 = arith.constant 0 : i32
    %dma_start3A_51 = arith.constant 0 : i32
    %dma_start3A_52 = tpu.memref_slice %arg3[%dma_start3A_50, %dma_start3A_51] : memref<8192x32xf32, #tpu.memory_space<hbm>> -> memref<8192x32xf32, #tpu.memory_space<hbm>>
    tpu.enqueue_indirect_dma source(%dma_start3A_52 : memref<8192x32xf32, #tpu.memory_space<hbm>>) target(%dma_start3A_46 : memref<128x32xf32, #tpu.memory_space<vmem>>) offsets(%dma_start3A_49 : memref<128xi32, #tpu.memory_space<vmem>>) semaphore(%arg11 : memref<!tpu.dma_semaphore, #tpu.memory_space<semaphore_mem>>)
    %dma_start3A_53 = arith.constant 3 : i32
    %dma_start3A_54 = arith.constant 0 : i32
    %dma_start3A_55 = arith.constant 0 : i32
    %dma_start3A_56 = arith.constant 0 : i32
    %dma_start3A_57 = tpu.memref_slice %arg8[%dma_start3A_54, %dma_start3A_55, %dma_start3A_56] : memref<2x512x32xf32, #tpu.memory_space<vmem>> -> memref<1x512x32xf32, #tpu.memory_space<vmem>>
    %dma_start3A_58 = tpu.memref_squeeze %dma_start3A_57 : memref<1x512x32xf32, #tpu.memory_space<vmem>> -> memref<512x32xf32, #tpu.memory_space<vmem>>
    %dma_start3A_59 = arith.constant 384 : i32
    %dma_start3A_60 = arith.constant 0 : i32
    %dma_start3A_61 = tpu.memref_slice %dma_start3A_58[%dma_start3A_59, %dma_start3A_60] : memref<512x32xf32, #tpu.memory_space<vmem>> -> memref<128x32xf32, #tpu.memory_space<vmem>>
    %dma_start3A_62 = arith.constant 0 : i32
    %dma_start3A_63 = tpu.memref_slice %arg7[%dma_start3A_53, %dma_start3A_62] : memref<16x128xi32, #tpu.memory_space<vmem>> -> memref<1x128xi32, #tpu.memory_space<vmem>>
    %dma_start3A_64 = tpu.memref_squeeze %dma_start3A_63 : memref<1x128xi32, #tpu.memory_space<vmem>> -> memref<128xi32, #tpu.memory_space<vmem>>
    %dma_start3A_65 = arith.constant 0 : i32
    %dma_start3A_66 = arith.constant 0 : i32
    %dma_start3A_67 = tpu.memref_slice %arg3[%dma_start3A_65, %dma_start3A_66] : memref<8192x32xf32, #tpu.memory_space<hbm>> -> memref<8192x32xf32, #tpu.memory_space<hbm>>
    tpu.enqueue_indirect_dma source(%dma_start3A_67 : memref<8192x32xf32, #tpu.memory_space<hbm>>) target(%dma_start3A_61 : memref<128x32xf32, #tpu.memory_space<vmem>>) offsets(%dma_start3A_64 : memref<128xi32, #tpu.memory_space<vmem>>) semaphore(%arg11 : memref<!tpu.dma_semaphore, #tpu.memory_space<semaphore_mem>>)
    %add3A_68 = arith.constant 0 : i32
    %add3A_69 = arith.addi %mul3A_2, %add3A_68 : i32
    %dma_start3A_70 = arith.constant 0 : i32
    %dma_start3A_71 = arith.constant 0 : i32
    %dma_start3A_72 = arith.constant 0 : i32
    %dma_start3A_73 = tpu.memref_slice %arg9[%dma_start3A_70, %dma_start3A_71, %dma_start3A_72] : memref<2x512x32xf32, #tpu.memory_space<vmem>> -> memref<1x512x32xf32, #tpu.memory_space<vmem>>
    %dma_start3A_74 = tpu.memref_squeeze %dma_start3A_73 : memref<1x512x32xf32, #tpu.memory_space<vmem>> -> memref<512x32xf32, #tpu.memory_space<vmem>>
    %dma_start3A_75 = arith.constant 0 : i32
    %dma_start3A_76 = tpu.memref_slice %arg4[%add3A_69, %dma_start3A_75] : memref<65536x32xf32, #tpu.memory_space<hbm>> -> memref<512x32xf32, #tpu.memory_space<hbm>>
    %dma_start3A_77 = arith.constant 0 : i32
    %dma_start3A_78 = arith.constant 0 : i32
    %dma_start3A_79 = tpu.memref_slice %arg9[%dma_start3A_70, %dma_start3A_77, %dma_start3A_78] : memref<2x512x32xf32, #tpu.memory_space<vmem>> -> memref<1x512x32xf32, #tpu.memory_space<vmem>>
    %dma_start3A_80 = tpu.memref_squeeze %dma_start3A_79 : memref<1x512x32xf32, #tpu.memory_space<vmem>> -> memref<512x32xf32, #tpu.memory_space<vmem>>
    %dma_start3A_81 = arith.constant 0 : i32
    %dma_start3A_82 = tpu.memref_slice %arg4[%add3A_69, %dma_start3A_81] : memref<65536x32xf32, #tpu.memory_space<hbm>> -> memref<512x32xf32, #tpu.memory_space<hbm>>
    tpu.enqueue_dma source(%dma_start3A_82 : memref<512x32xf32, #tpu.memory_space<hbm>>) target(%dma_start3A_80 : memref<512x32xf32, #tpu.memory_space<vmem>>) target_semaphore(%arg12 : memref<!tpu.dma_semaphore, #tpu.memory_space<semaphore_mem>>)
    %dma_start3A_83 = arith.constant 4 : i32
    %dma_start3A_84 = arith.constant 1 : i32
    %dma_start3A_85 = arith.constant 0 : i32
    %dma_start3A_86 = arith.constant 0 : i32
    %dma_start3A_87 = tpu.memref_slice %arg8[%dma_start3A_84, %dma_start3A_85, %dma_start3A_86] : memref<2x512x32xf32, #tpu.memory_space<vmem>> -> memref<1x512x32xf32, #tpu.memory_space<vmem>>
    %dma_start3A_88 = tpu.memref_squeeze %dma_start3A_87 : memref<1x512x32xf32, #tpu.memory_space<vmem>> -> memref<512x32xf32, #tpu.memory_space<vmem>>
    %dma_start3A_89 = arith.constant 0 : i32
    %dma_start3A_90 = arith.constant 0 : i32
    %dma_start3A_91 = tpu.memref_slice %dma_start3A_88[%dma_start3A_89, %dma_start3A_90] : memref<512x32xf32, #tpu.memory_space<vmem>> -> memref<128x32xf32, #tpu.memory_space<vmem>>
    %dma_start3A_92 = arith.constant 0 : i32
    %dma_start3A_93 = tpu.memref_slice %arg7[%dma_start3A_83, %dma_start3A_92] : memref<16x128xi32, #tpu.memory_space<vmem>> -> memref<1x128xi32, #tpu.memory_space<vmem>>
    %dma_start3A_94 = tpu.memref_squeeze %dma_start3A_93 : memref<1x128xi32, #tpu.memory_space<vmem>> -> memref<128xi32, #tpu.memory_space<vmem>>
    %dma_start3A_95 = arith.constant 0 : i32
    %dma_start3A_96 = arith.constant 0 : i32
    %dma_start3A_97 = tpu.memref_slice %arg3[%dma_start3A_95, %dma_start3A_96] : memref<8192x32xf32, #tpu.memory_space<hbm>> -> memref<8192x32xf32, #tpu.memory_space<hbm>>
    tpu.enqueue_indirect_dma source(%dma_start3A_97 : memref<8192x32xf32, #tpu.memory_space<hbm>>) target(%dma_start3A_91 : memref<128x32xf32, #tpu.memory_space<vmem>>) offsets(%dma_start3A_94 : memref<128xi32, #tpu.memory_space<vmem>>) semaphore(%arg11 : memref<!tpu.dma_semaphore, #tpu.memory_space<semaphore_mem>>)
    %dma_start3A_98 = arith.constant 5 : i32
    %dma_start3A_99 = arith.constant 1 : i32
    %dma_start3A_100 = arith.constant 0 : i32
    %dma_start3A_101 = arith.constant 0 : i32
    %dma_start3A_102 = tpu.memref_slice %arg8[%dma_start3A_99, %dma_start3A_100, %dma_start3A_101] : memref<2x512x32xf32, #tpu.memory_space<vmem>> -> memref<1x512x32xf32, #tpu.memory_space<vmem>>
    %dma_start3A_103 = tpu.memref_squeeze %dma_start3A_102 : memref<1x512x32xf32, #tpu.memory_space<vmem>> -> memref<512x32xf32, #tpu.memory_space<vmem>>
    %dma_start3A_104 = arith.constant 128 : i32
    %dma_start3A_105 = arith.constant 0 : i32
    %dma_start3A_106 = tpu.memref_slice %dma_start3A_103[%dma_start3A_104, %dma_start3A_105] : memref<512x32xf32, #tpu.memory_space<vmem>> -> memref<128x32xf32, #tpu.memory_space<vmem>>
    %dma_start3A_107 = arith.constant 0 : i32
    %dma_start3A_108 = tpu.memref_slice %arg7[%dma_start3A_98, %dma_start3A_107] : memref<16x128xi32, #tpu.memory_space<vmem>> -> memref<1x128xi32, #tpu.memory_space<vmem>>
    %dma_start3A_109 = tpu.memref_squeeze %dma_start3A_108 : memref<1x128xi32, #tpu.memory_space<vmem>> -> memref<128xi32, #tpu.memory_space<vmem>>
    %dma_start3A_110 = arith.constant 0 : i32
    %dma_start3A_111 = arith.constant 0 : i32
    %dma_start3A_112 = tpu.memref_slice %arg3[%dma_start3A_110, %dma_start3A_111] : memref<8192x32xf32, #tpu.memory_space<hbm>> -> memref<8192x32xf32, #tpu.memory_space<hbm>>
    tpu.enqueue_indirect_dma source(%dma_start3A_112 : memref<8192x32xf32, #tpu.memory_space<hbm>>) target(%dma_start3A_106 : memref<128x32xf32, #tpu.memory_space<vmem>>) offsets(%dma_start3A_109 : memref<128xi32, #tpu.memory_space<vmem>>) semaphore(%arg11 : memref<!tpu.dma_semaphore, #tpu.memory_space<semaphore_mem>>)
    %dma_start3A_113 = arith.constant 6 : i32
    %dma_start3A_114 = arith.constant 1 : i32
    %dma_start3A_115 = arith.constant 0 : i32
    %dma_start3A_116 = arith.constant 0 : i32
    %dma_start3A_117 = tpu.memref_slice %arg8[%dma_start3A_114, %dma_start3A_115, %dma_start3A_116] : memref<2x512x32xf32, #tpu.memory_space<vmem>> -> memref<1x512x32xf32, #tpu.memory_space<vmem>>
    %dma_start3A_118 = tpu.memref_squeeze %dma_start3A_117 : memref<1x512x32xf32, #tpu.memory_space<vmem>> -> memref<512x32xf32, #tpu.memory_space<vmem>>
    %dma_start3A_119 = arith.constant 256 : i32
    %dma_start3A_120 = arith.constant 0 : i32
    %dma_start3A_121 = tpu.memref_slice %dma_start3A_118[%dma_start3A_119, %dma_start3A_120] : memref<512x32xf32, #tpu.memory_space<vmem>> -> memref<128x32xf32, #tpu.memory_space<vmem>>
    %dma_start3A_122 = arith.constant 0 : i32
    %dma_start3A_123 = tpu.memref_slice %arg7[%dma_start3A_113, %dma_start3A_122] : memref<16x128xi32, #tpu.memory_space<vmem>> -> memref<1x128xi32, #tpu.memory_space<vmem>>
    %dma_start3A_124 = tpu.memref_squeeze %dma_start3A_123 : memref<1x128xi32, #tpu.memory_space<vmem>> -> memref<128xi32, #tpu.memory_space<vmem>>
    %dma_start3A_125 = arith.constant 0 : i32
    %dma_start3A_126 = arith.constant 0 : i32
    %dma_start3A_127 = tpu.memref_slice %arg3[%dma_start3A_125, %dma_start3A_126] : memref<8192x32xf32, #tpu.memory_space<hbm>> -> memref<8192x32xf32, #tpu.memory_space<hbm>>
    tpu.enqueue_indirect_dma source(%dma_start3A_127 : memref<8192x32xf32, #tpu.memory_space<hbm>>) target(%dma_start3A_121 : memref<128x32xf32, #tpu.memory_space<vmem>>) offsets(%dma_start3A_124 : memref<128xi32, #tpu.memory_space<vmem>>) semaphore(%arg11 : memref<!tpu.dma_semaphore, #tpu.memory_space<semaphore_mem>>)
    %dma_start3A_128 = arith.constant 7 : i32
    %dma_start3A_129 = arith.constant 1 : i32
    %dma_start3A_130 = arith.constant 0 : i32
    %dma_start3A_131 = arith.constant 0 : i32
    %dma_start3A_132 = tpu.memref_slice %arg8[%dma_start3A_129, %dma_start3A_130, %dma_start3A_131] : memref<2x512x32xf32, #tpu.memory_space<vmem>> -> memref<1x512x32xf32, #tpu.memory_space<vmem>>
    %dma_start3A_133 = tpu.memref_squeeze %dma_start3A_132 : memref<1x512x32xf32, #tpu.memory_space<vmem>> -> memref<512x32xf32, #tpu.memory_space<vmem>>
    %dma_start3A_134 = arith.constant 384 : i32
    %dma_start3A_135 = arith.constant 0 : i32
    %dma_start3A_136 = tpu.memref_slice %dma_start3A_133[%dma_start3A_134, %dma_start3A_135] : memref<512x32xf32, #tpu.memory_space<vmem>> -> memref<128x32xf32, #tpu.memory_space<vmem>>
    %dma_start3A_137 = arith.constant 0 : i32
    %dma_start3A_138 = tpu.memref_slice %arg7[%dma_start3A_128, %dma_start3A_137] : memref<16x128xi32, #tpu.memory_space<vmem>> -> memref<1x128xi32, #tpu.memory_space<vmem>>
    %dma_start3A_139 = tpu.memref_squeeze %dma_start3A_138 : memref<1x128xi32, #tpu.memory_space<vmem>> -> memref<128xi32, #tpu.memory_space<vmem>>
    %dma_start3A_140 = arith.constant 0 : i32
    %dma_start3A_141 = arith.constant 0 : i32
    %dma_start3A_142 = tpu.memref_slice %arg3[%dma_start3A_140, %dma_start3A_141] : memref<8192x32xf32, #tpu.memory_space<hbm>> -> memref<8192x32xf32, #tpu.memory_space<hbm>>
    tpu.enqueue_indirect_dma source(%dma_start3A_142 : memref<8192x32xf32, #tpu.memory_space<hbm>>) target(%dma_start3A_136 : memref<128x32xf32, #tpu.memory_space<vmem>>) offsets(%dma_start3A_139 : memref<128xi32, #tpu.memory_space<vmem>>) semaphore(%arg11 : memref<!tpu.dma_semaphore, #tpu.memory_space<semaphore_mem>>)
    %add3A_143 = arith.constant 512 : i32
    %add3A_144 = arith.addi %mul3A_2, %add3A_143 : i32
    %dma_start3A_145 = arith.constant 1 : i32
    %dma_start3A_146 = arith.constant 0 : i32
    %dma_start3A_147 = arith.constant 0 : i32
    %dma_start3A_148 = tpu.memref_slice %arg9[%dma_start3A_145, %dma_start3A_146, %dma_start3A_147] : memref<2x512x32xf32, #tpu.memory_space<vmem>> -> memref<1x512x32xf32, #tpu.memory_space<vmem>>
    %dma_start3A_149 = tpu.memref_squeeze %dma_start3A_148 : memref<1x512x32xf32, #tpu.memory_space<vmem>> -> memref<512x32xf32, #tpu.memory_space<vmem>>
    %dma_start3A_150 = arith.constant 0 : i32
    %dma_start3A_151 = tpu.memref_slice %arg4[%add3A_144, %dma_start3A_150] : memref<65536x32xf32, #tpu.memory_space<hbm>> -> memref<512x32xf32, #tpu.memory_space<hbm>>
    %dma_start3A_152 = arith.constant 0 : i32
    %dma_start3A_153 = arith.constant 0 : i32
    %dma_start3A_154 = tpu.memref_slice %arg9[%dma_start3A_145, %dma_start3A_152, %dma_start3A_153] : memref<2x512x32xf32, #tpu.memory_space<vmem>> -> memref<1x512x32xf32, #tpu.memory_space<vmem>>
    %dma_start3A_155 = tpu.memref_squeeze %dma_start3A_154 : memref<1x512x32xf32, #tpu.memory_space<vmem>> -> memref<512x32xf32, #tpu.memory_space<vmem>>
    %dma_start3A_156 = arith.constant 0 : i32
    %dma_start3A_157 = tpu.memref_slice %arg4[%add3A_144, %dma_start3A_156] : memref<65536x32xf32, #tpu.memory_space<hbm>> -> memref<512x32xf32, #tpu.memory_space<hbm>>
    tpu.enqueue_dma source(%dma_start3A_157 : memref<512x32xf32, #tpu.memory_space<hbm>>) target(%dma_start3A_155 : memref<512x32xf32, #tpu.memory_space<vmem>>) target_semaphore(%arg12 : memref<!tpu.dma_semaphore, #tpu.memory_space<semaphore_mem>>)
    %dma_wait3A = arith.constant 0 : i32
    %dma_wait3A_158 = arith.constant 0 : i32
    %dma_wait3A_159 = arith.constant 0 : i32
    %dma_wait3A_160 = arith.constant 0 : i32
    %dma_wait3A_161 = tpu.memref_slice %arg8[%dma_wait3A_158, %dma_wait3A_159, %dma_wait3A_160] : memref<2x512x32xf32, #tpu.memory_space<vmem>> -> memref<1x512x32xf32, #tpu.memory_space<vmem>>
    %dma_wait3A_162 = tpu.memref_squeeze %dma_wait3A_161 : memref<1x512x32xf32, #tpu.memory_space<vmem>> -> memref<512x32xf32, #tpu.memory_space<vmem>>
    %dma_wait3A_163 = arith.constant 0 : i32
    %dma_wait3A_164 = arith.constant 0 : i32
    %dma_wait3A_165 = tpu.memref_slice %dma_wait3A_162[%dma_wait3A_163, %dma_wait3A_164] : memref<512x32xf32, #tpu.memory_space<vmem>> -> memref<128x32xf32, #tpu.memory_space<vmem>>
    %dma_wait3A_166 = arith.constant 0 : i32
    %dma_wait3A_167 = tpu.memref_slice %arg7[%dma_wait3A, %dma_wait3A_166] : memref<16x128xi32, #tpu.memory_space<vmem>> -> memref<1x128xi32, #tpu.memory_space<vmem>>
    %dma_wait3A_168 = tpu.memref_squeeze %dma_wait3A_167 : memref<1x128xi32, #tpu.memory_space<vmem>> -> memref<128xi32, #tpu.memory_space<vmem>>
    %dma_wait3A_169 = arith.constant 0 : i32
    %dma_wait3A_170 = arith.constant 0 : i32
    %dma_wait3A_171 = tpu.memref_slice %arg3[%dma_wait3A_169, %dma_wait3A_170] : memref<8192x32xf32, #tpu.memory_space<hbm>> -> memref<8192x32xf32, #tpu.memory_space<hbm>>
    tpu.wait_indirect_dma semaphore(%arg11 : memref<!tpu.dma_semaphore, #tpu.memory_space<semaphore_mem>>) src(%dma_wait3A_171 : memref<8192x32xf32, #tpu.memory_space<hbm>>) dst(%dma_wait3A_165 : memref<128x32xf32, #tpu.memory_space<vmem>>)
    %dma_wait3A_172 = arith.constant 1 : i32
    %dma_wait3A_173 = arith.constant 0 : i32
    %dma_wait3A_174 = arith.constant 0 : i32
    %dma_wait3A_175 = arith.constant 0 : i32
    %dma_wait3A_176 = tpu.memref_slice %arg8[%dma_wait3A_173, %dma_wait3A_174, %dma_wait3A_175] : memref<2x512x32xf32, #tpu.memory_space<vmem>> -> memref<1x512x32xf32, #tpu.memory_space<vmem>>
    %dma_wait3A_177 = tpu.memref_squeeze %dma_wait3A_176 : memref<1x512x32xf32, #tpu.memory_space<vmem>> -> memref<512x32xf32, #tpu.memory_space<vmem>>
    %dma_wait3A_178 = arith.constant 128 : i32
    %dma_wait3A_179 = arith.constant 0 : i32
    %dma_wait3A_180 = tpu.memref_slice %dma_wait3A_177[%dma_wait3A_178, %dma_wait3A_179] : memref<512x32xf32, #tpu.memory_space<vmem>> -> memref<128x32xf32, #tpu.memory_space<vmem>>
    %dma_wait3A_181 = arith.constant 0 : i32
    %dma_wait3A_182 = tpu.memref_slice %arg7[%dma_wait3A_172, %dma_wait3A_181] : memref<16x128xi32, #tpu.memory_space<vmem>> -> memref<1x128xi32, #tpu.memory_space<vmem>>
    %dma_wait3A_183 = tpu.memref_squeeze %dma_wait3A_182 : memref<1x128xi32, #tpu.memory_space<vmem>> -> memref<128xi32, #tpu.memory_space<vmem>>
    %dma_wait3A_184 = arith.constant 0 : i32
    %dma_wait3A_185 = arith.constant 0 : i32
    %dma_wait3A_186 = tpu.memref_slice %arg3[%dma_wait3A_184, %dma_wait3A_185] : memref<8192x32xf32, #tpu.memory_space<hbm>> -> memref<8192x32xf32, #tpu.memory_space<hbm>>
    tpu.wait_indirect_dma semaphore(%arg11 : memref<!tpu.dma_semaphore, #tpu.memory_space<semaphore_mem>>) src(%dma_wait3A_186 : memref<8192x32xf32, #tpu.memory_space<hbm>>) dst(%dma_wait3A_180 : memref<128x32xf32, #tpu.memory_space<vmem>>)
    %dma_wait3A_187 = arith.constant 2 : i32
    %dma_wait3A_188 = arith.constant 0 : i32
    %dma_wait3A_189 = arith.constant 0 : i32
    %dma_wait3A_190 = arith.constant 0 : i32
    %dma_wait3A_191 = tpu.memref_slice %arg8[%dma_wait3A_188, %dma_wait3A_189, %dma_wait3A_190] : memref<2x512x32xf32, #tpu.memory_space<vmem>> -> memref<1x512x32xf32, #tpu.memory_space<vmem>>
    %dma_wait3A_192 = tpu.memref_squeeze %dma_wait3A_191 : memref<1x512x32xf32, #tpu.memory_space<vmem>> -> memref<512x32xf32, #tpu.memory_space<vmem>>
    %dma_wait3A_193 = arith.constant 256 : i32
    %dma_wait3A_194 = arith.constant 0 : i32
    %dma_wait3A_195 = tpu.memref_slice %dma_wait3A_192[%dma_wait3A_193, %dma_wait3A_194] : memref<512x32xf32, #tpu.memory_space<vmem>> -> memref<128x32xf32, #tpu.memory_space<vmem>>
    %dma_wait3A_196 = arith.constant 0 : i32
    %dma_wait3A_197 = tpu.memref_slice %arg7[%dma_wait3A_187, %dma_wait3A_196] : memref<16x128xi32, #tpu.memory_space<vmem>> -> memref<1x128xi32, #tpu.memory_space<vmem>>
    %dma_wait3A_198 = tpu.memref_squeeze %dma_wait3A_197 : memref<1x128xi32, #tpu.memory_space<vmem>> -> memref<128xi32, #tpu.memory_space<vmem>>
    %dma_wait3A_199 = arith.constant 0 : i32
    %dma_wait3A_200 = arith.constant 0 : i32
    %dma_wait3A_201 = tpu.memref_slice %arg3[%dma_wait3A_199, %dma_wait3A_200] : memref<8192x32xf32, #tpu.memory_space<hbm>> -> memref<8192x32xf32, #tpu.memory_space<hbm>>
    tpu.wait_indirect_dma semaphore(%arg11 : memref<!tpu.dma_semaphore, #tpu.memory_space<semaphore_mem>>) src(%dma_wait3A_201 : memref<8192x32xf32, #tpu.memory_space<hbm>>) dst(%dma_wait3A_195 : memref<128x32xf32, #tpu.memory_space<vmem>>)
    %dma_wait3A_202 = arith.constant 3 : i32
    %dma_wait3A_203 = arith.constant 0 : i32
    %dma_wait3A_204 = arith.constant 0 : i32
    %dma_wait3A_205 = arith.constant 0 : i32
    %dma_wait3A_206 = tpu.memref_slice %arg8[%dma_wait3A_203, %dma_wait3A_204, %dma_wait3A_205] : memref<2x512x32xf32, #tpu.memory_space<vmem>> -> memref<1x512x32xf32, #tpu.memory_space<vmem>>
    %dma_wait3A_207 = tpu.memref_squeeze %dma_wait3A_206 : memref<1x512x32xf32, #tpu.memory_space<vmem>> -> memref<512x32xf32, #tpu.memory_space<vmem>>
    %dma_wait3A_208 = arith.constant 384 : i32
    %dma_wait3A_209 = arith.constant 0 : i32
    %dma_wait3A_210 = tpu.memref_slice %dma_wait3A_207[%dma_wait3A_208, %dma_wait3A_209] : memref<512x32xf32, #tpu.memory_space<vmem>> -> memref<128x32xf32, #tpu.memory_space<vmem>>
    %dma_wait3A_211 = arith.constant 0 : i32
    %dma_wait3A_212 = tpu.memref_slice %arg7[%dma_wait3A_202, %dma_wait3A_211] : memref<16x128xi32, #tpu.memory_space<vmem>> -> memref<1x128xi32, #tpu.memory_space<vmem>>
    %dma_wait3A_213 = tpu.memref_squeeze %dma_wait3A_212 : memref<1x128xi32, #tpu.memory_space<vmem>> -> memref<128xi32, #tpu.memory_space<vmem>>
    %dma_wait3A_214 = arith.constant 0 : i32
    %dma_wait3A_215 = arith.constant 0 : i32
    %dma_wait3A_216 = tpu.memref_slice %arg3[%dma_wait3A_214, %dma_wait3A_215] : memref<8192x32xf32, #tpu.memory_space<hbm>> -> memref<8192x32xf32, #tpu.memory_space<hbm>>
    tpu.wait_indirect_dma semaphore(%arg11 : memref<!tpu.dma_semaphore, #tpu.memory_space<semaphore_mem>>) src(%dma_wait3A_216 : memref<8192x32xf32, #tpu.memory_space<hbm>>) dst(%dma_wait3A_210 : memref<128x32xf32, #tpu.memory_space<vmem>>)
    %dma_wait3A_217 = arith.constant 0 : i32
    %dma_wait3A_218 = arith.constant 0 : i32
    %dma_wait3A_219 = arith.constant 0 : i32
    %dma_wait3A_220 = tpu.memref_slice %arg9[%dma_wait3A_217, %dma_wait3A_218, %dma_wait3A_219] : memref<2x512x32xf32, #tpu.memory_space<vmem>> -> memref<1x512x32xf32, #tpu.memory_space<vmem>>
    %dma_wait3A_221 = tpu.memref_squeeze %dma_wait3A_220 : memref<1x512x32xf32, #tpu.memory_space<vmem>> -> memref<512x32xf32, #tpu.memory_space<vmem>>
    %dma_wait3A_222 = arith.constant 0 : i32
    %dma_wait3A_223 = tpu.memref_slice %arg4[%add3A_69, %dma_wait3A_222] : memref<65536x32xf32, #tpu.memory_space<hbm>> -> memref<512x32xf32, #tpu.memory_space<hbm>>
    %dma_wait3A_224 = arith.constant 0 : i32
    %dma_wait3A_225 = arith.constant 0 : i32
    %dma_wait3A_226 = tpu.memref_slice %arg9[%dma_wait3A_217, %dma_wait3A_224, %dma_wait3A_225] : memref<2x512x32xf32, #tpu.memory_space<vmem>> -> memref<1x512x32xf32, #tpu.memory_space<vmem>>
    %dma_wait3A_227 = tpu.memref_squeeze %dma_wait3A_226 : memref<1x512x32xf32, #tpu.memory_space<vmem>> -> memref<512x32xf32, #tpu.memory_space<vmem>>
    %dma_wait3A_228 = arith.constant 0 : i32
    %dma_wait3A_229 = tpu.memref_slice %arg4[%add3A_69, %dma_wait3A_228] : memref<65536x32xf32, #tpu.memory_space<hbm>> -> memref<512x32xf32, #tpu.memory_space<hbm>>
    tpu.wait_dma2 semaphore(%arg12 : memref<!tpu.dma_semaphore, #tpu.memory_space<semaphore_mem>>) src(%dma_wait3A_229 : memref<512x32xf32, #tpu.memory_space<hbm>>) dst(%dma_wait3A_227 : memref<512x32xf32, #tpu.memory_space<vmem>>)
    %broadcast_in_dim3A_230 = arith.constant 0.000000e+00 : f32
    %broadcast_in_dim3A_231 = vector.broadcast %broadcast_in_dim3A_230 : f32 to vector<16xf32>
    %broadcast_in_dim3A_232 = arith.constant 0.000000e+00 : f32
    %broadcast_in_dim3A_233 = vector.broadcast %broadcast_in_dim3A_232 : f32 to vector<16xf32>
    %scan3A = arith.constant 0 : i32
    %scan3A_234 = arith.constant 512 : i32
    %scan3A_235 = arith.addi %scan3A, %scan3A_234 : i32
    %scan3A_236 = arith.constant 1 : i32
    %scan3A_237:2 = scf.for %scan3A_785 = %scan3A to %scan3A_235 step %scan3A_236 iter_args(%scan3A_786 = %broadcast_in_dim3A_231, %scan3A_787 = %broadcast_in_dim3A_233) -> (vector<16xf32>, vector<16xf32>)  : i32 {
      %get3A_788 = arith.constant 0 : i32
      %get3A_789 = arith.index_cast %get3A_788 : i32 to index
      %get3A_790 = arith.index_cast %scan3A_785 : i32 to index
      %get3A_791 = arith.constant 0 : index
      %get3A_792 = tpu.vector_load %arg8[%get3A_789, %get3A_790, %get3A_791] {strides = array<i32>} : memref<2x512x32xf32, #tpu.memory_space<vmem>>, vector<1x1x16xf32>,
      %get3A_793 = vector.shape_cast %get3A_792 : vector<1x1x16xf32> to vector<16xf32>
      %get3A_794 = arith.constant 0 : i32
      %get3A_795 = arith.index_cast %get3A_794 : i32 to index
      %get3A_796 = arith.index_cast %scan3A_785 : i32 to index
      %get3A_797 = arith.constant 0 : index
      %get3A_798 = tpu.vector_load %arg9[%get3A_795, %get3A_796, %get3A_797] {strides = array<i32>} : memref<2x512x32xf32, #tpu.memory_space<vmem>>, vector<1x1x16xf32>,
      %get3A_799 = vector.shape_cast %get3A_798 : vector<1x1x16xf32> to vector<16xf32>
      %sub3A = arith.subf %get3A_793, %get3A_799 : vector<16xf32>
      %get3A_800 = arith.constant 0 : i32
      %get3A_801 = arith.index_cast %get3A_800 : i32 to index
      %get3A_802 = arith.index_cast %scan3A_785 : i32 to index
      %get3A_803 = arith.constant 16 : index
      %get3A_804 = tpu.vector_load %arg8[%get3A_801, %get3A_802, %get3A_803] {strides = array<i32>} : memref<2x512x32xf32, #tpu.memory_space<vmem>>, vector<1x1x16xf32>,
      %get3A_805 = vector.shape_cast %get3A_804 : vector<1x1x16xf32> to vector<16xf32>
      %get3A_806 = arith.constant 0 : i32
      %get3A_807 = arith.index_cast %get3A_806 : i32 to index
      %get3A_808 = arith.index_cast %scan3A_785 : i32 to index
      %get3A_809 = arith.constant 16 : index
      %get3A_810 = tpu.vector_load %arg9[%get3A_807, %get3A_808, %get3A_809] {strides = array<i32>} : memref<2x512x32xf32, #tpu.memory_space<vmem>>, vector<1x1x16xf32>,
      %get3A_811 = vector.shape_cast %get3A_810 : vector<1x1x16xf32> to vector<16xf32>
      %sub3A_812 = arith.subf %get3A_805, %get3A_811 : vector<16xf32>
      %mul3A_813 = arith.mulf %sub3A, %sub3A : vector<16xf32>
      %add3A_814 = arith.addf %scan3A_786, %mul3A_813 : vector<16xf32>
      %mul3A_815 = arith.mulf %sub3A_812, %sub3A_812 : vector<16xf32>
      %add3A_816 = arith.addf %scan3A_787, %mul3A_815 : vector<16xf32>
      scf.yield %add3A_814, %add3A_816 : vector<16xf32>, vector<16xf32>
    }
    %scan3A_238 = arith.constant 512 : i32
    %get3A = arith.constant 0 : index
    %get3A_239 = tpu.vector_load %arg10[%get3A] {strides = array<i32>} : memref<16xf32, #tpu.memory_space<vmem>>, vector<16xf32>,
    %get3A_240 = vector.shape_cast %get3A_239 : vector<16xf32> to vector<16xf32>
    %add3A_241 = arith.addf %scan3A_237#0, %scan3A_237#1 : vector<16xf32>
    %add3A_242 = arith.addf %get3A_240, %add3A_241 : vector<16xf32>
    %swap3A_243 = arith.constant 0 : index
    %swap3A_244 = tpu.vector_load %arg10[%swap3A_243] {strides = array<i32>} : memref<16xf32, #tpu.memory_space<vmem>>, vector<16xf32>,
    %swap3A_245 = vector.shape_cast %swap3A_244 : vector<16xf32> to vector<16xf32>
    %swap3A_246 = vector.shape_cast %add3A_242 : vector<16xf32> to vector<16xf32>
    tpu.vector_store %arg10[%swap3A_243], %swap3A_246 {strides = array<i32>} : memref<16xf32, #tpu.memory_space<vmem>>, vector<16xf32>,
    %add3A_247 = arith.constant 0 : i32
    %add3A_248 = arith.addi %mul3A_2, %add3A_247 : i32
    %dma_start3A_249 = arith.constant 0 : i32
    %dma_start3A_250 = arith.constant 0 : i32
    %dma_start3A_251 = arith.constant 0 : i32
    %dma_start3A_252 = tpu.memref_slice %arg8[%dma_start3A_249, %dma_start3A_250, %dma_start3A_251] : memref<2x512x32xf32, #tpu.memory_space<vmem>> -> memref<1x512x32xf32, #tpu.memory_space<vmem>>
    %dma_start3A_253 = tpu.memref_squeeze %dma_start3A_252 : memref<1x512x32xf32, #tpu.memory_space<vmem>> -> memref<512x32xf32, #tpu.memory_space<vmem>>
    %dma_start3A_254 = arith.constant 0 : i32
    %dma_start3A_255 = tpu.memref_slice %arg5[%add3A_248, %dma_start3A_254] : memref<65536x32xf32, #tpu.memory_space<hbm>> -> memref<512x32xf32, #tpu.memory_space<hbm>>
    %dma_start3A_256 = arith.constant 0 : i32
    %dma_start3A_257 = tpu.memref_slice %arg5[%add3A_248, %dma_start3A_256] : memref<65536x32xf32, #tpu.memory_space<hbm>> -> memref<512x32xf32, #tpu.memory_space<hbm>>
    %dma_start3A_258 = arith.constant 0 : i32
    %dma_start3A_259 = arith.constant 0 : i32
    %dma_start3A_260 = tpu.memref_slice %arg8[%dma_start3A_249, %dma_start3A_258, %dma_start3A_259] : memref<2x512x32xf32, #tpu.memory_space<vmem>> -> memref<1x512x32xf32, #tpu.memory_space<vmem>>
    %dma_start3A_261 = tpu.memref_squeeze %dma_start3A_260 : memref<1x512x32xf32, #tpu.memory_space<vmem>> -> memref<512x32xf32, #tpu.memory_space<vmem>>
    tpu.enqueue_dma source(%dma_start3A_261 : memref<512x32xf32, #tpu.memory_space<vmem>>) target(%dma_start3A_257 : memref<512x32xf32, #tpu.memory_space<hbm>>) target_semaphore(%arg13 : memref<!tpu.dma_semaphore, #tpu.memory_space<semaphore_mem>>)
    %dma_wait3A_262 = arith.constant 0 : i32
    %dma_wait3A_263 = arith.constant 0 : i32
    %dma_wait3A_264 = arith.constant 0 : i32
    %dma_wait3A_265 = tpu.memref_slice %arg8[%dma_wait3A_262, %dma_wait3A_263, %dma_wait3A_264] : memref<2x512x32xf32, #tpu.memory_space<vmem>> -> memref<1x512x32xf32, #tpu.memory_space<vmem>>
    %dma_wait3A_266 = tpu.memref_squeeze %dma_wait3A_265 : memref<1x512x32xf32, #tpu.memory_space<vmem>> -> memref<512x32xf32, #tpu.memory_space<vmem>>
    %dma_wait3A_267 = arith.constant 0 : i32
    %dma_wait3A_268 = tpu.memref_slice %arg5[%add3A_248, %dma_wait3A_267] : memref<65536x32xf32, #tpu.memory_space<hbm>> -> memref<512x32xf32, #tpu.memory_space<hbm>>
    %dma_wait3A_269 = arith.constant 0 : i32
    %dma_wait3A_270 = tpu.memref_slice %arg5[%add3A_248, %dma_wait3A_269] : memref<65536x32xf32, #tpu.memory_space<hbm>> -> memref<512x32xf32, #tpu.memory_space<hbm>>
    %dma_wait3A_271 = arith.constant 0 : i32
    %dma_wait3A_272 = arith.constant 0 : i32
    %dma_wait3A_273 = tpu.memref_slice %arg8[%dma_wait3A_262, %dma_wait3A_271, %dma_wait3A_272] : memref<2x512x32xf32, #tpu.memory_space<vmem>> -> memref<1x512x32xf32, #tpu.memory_space<vmem>>
    %dma_wait3A_274 = tpu.memref_squeeze %dma_wait3A_273 : memref<1x512x32xf32, #tpu.memory_space<vmem>> -> memref<512x32xf32, #tpu.memory_space<vmem>>
    tpu.wait_dma2 semaphore(%arg13 : memref<!tpu.dma_semaphore, #tpu.memory_space<semaphore_mem>>) src(%dma_wait3A_274 : memref<512x32xf32, #tpu.memory_space<vmem>>) dst(%dma_wait3A_270 : memref<512x32xf32, #tpu.memory_space<hbm>>)
    %dma_start3A_275 = arith.constant 8 : i32
    %dma_start3A_276 = arith.constant 0 : i32
    %dma_start3A_277 = arith.constant 0 : i32
    %dma_start3A_278 = arith.constant 0 : i32
    %dma_start3A_279 = tpu.memref_slice %arg8[%dma_start3A_276, %dma_start3A_277, %dma_start3A_278] : memref<2x512x32xf32, #tpu.memory_space<vmem>> -> memref<1x512x32xf32, #tpu.memory_space<vmem>>
    %dma_start3A_280 = tpu.memref_squeeze %dma_start3A_279 : memref<1x512x32xf32, #tpu.memory_space<vmem>> -> memref<512x32xf32, #tpu.memory_space<vmem>>
    %dma_start3A_281 = arith.constant 0 : i32
    %dma_start3A_282 = arith.constant 0 : i32
    %dma_start3A_283 = tpu.memref_slice %dma_start3A_280[%dma_start3A_281, %dma_start3A_282] : memref<512x32xf32, #tpu.memory_space<vmem>> -> memref<128x32xf32, #tpu.memory_space<vmem>>
    %dma_start3A_284 = arith.constant 0 : i32
    %dma_start3A_285 = tpu.memref_slice %arg7[%dma_start3A_275, %dma_start3A_284] : memref<16x128xi32, #tpu.memory_space<vmem>> -> memref<1x128xi32, #tpu.memory_space<vmem>>
    %dma_start3A_286 = tpu.memref_squeeze %dma_start3A_285 : memref<1x128xi32, #tpu.memory_space<vmem>> -> memref<128xi32, #tpu.memory_space<vmem>>
    %dma_start3A_287 = arith.constant 0 : i32
    %dma_start3A_288 = arith.constant 0 : i32
    %dma_start3A_289 = tpu.memref_slice %arg3[%dma_start3A_287, %dma_start3A_288] : memref<8192x32xf32, #tpu.memory_space<hbm>> -> memref<8192x32xf32, #tpu.memory_space<hbm>>
    tpu.enqueue_indirect_dma source(%dma_start3A_289 : memref<8192x32xf32, #tpu.memory_space<hbm>>) target(%dma_start3A_283 : memref<128x32xf32, #tpu.memory_space<vmem>>) offsets(%dma_start3A_286 : memref<128xi32, #tpu.memory_space<vmem>>) semaphore(%arg11 : memref<!tpu.dma_semaphore, #tpu.memory_space<semaphore_mem>>)
    %dma_start3A_290 = arith.constant 9 : i32
    %dma_start3A_291 = arith.constant 0 : i32
    %dma_start3A_292 = arith.constant 0 : i32
    %dma_start3A_293 = arith.constant 0 : i32
    %dma_start3A_294 = tpu.memref_slice %arg8[%dma_start3A_291, %dma_start3A_292, %dma_start3A_293] : memref<2x512x32xf32, #tpu.memory_space<vmem>> -> memref<1x512x32xf32, #tpu.memory_space<vmem>>
    %dma_start3A_295 = tpu.memref_squeeze %dma_start3A_294 : memref<1x512x32xf32, #tpu.memory_space<vmem>> -> memref<512x32xf32, #tpu.memory_space<vmem>>
    %dma_start3A_296 = arith.constant 128 : i32
    %dma_start3A_297 = arith.constant 0 : i32
    %dma_start3A_298 = tpu.memref_slice %dma_start3A_295[%dma_start3A_296, %dma_start3A_297] : memref<512x32xf32, #tpu.memory_space<vmem>> -> memref<128x32xf32, #tpu.memory_space<vmem>>
    %dma_start3A_299 = arith.constant 0 : i32
    %dma_start3A_300 = tpu.memref_slice %arg7[%dma_start3A_290, %dma_start3A_299] : memref<16x128xi32, #tpu.memory_space<vmem>> -> memref<1x128xi32, #tpu.memory_space<vmem>>
    %dma_start3A_301 = tpu.memref_squeeze %dma_start3A_300 : memref<1x128xi32, #tpu.memory_space<vmem>> -> memref<128xi32, #tpu.memory_space<vmem>>
    %dma_start3A_302 = arith.constant 0 : i32
    %dma_start3A_303 = arith.constant 0 : i32
    %dma_start3A_304 = tpu.memref_slice %arg3[%dma_start3A_302, %dma_start3A_303] : memref<8192x32xf32, #tpu.memory_space<hbm>> -> memref<8192x32xf32, #tpu.memory_space<hbm>>
    tpu.enqueue_indirect_dma source(%dma_start3A_304 : memref<8192x32xf32, #tpu.memory_space<hbm>>) target(%dma_start3A_298 : memref<128x32xf32, #tpu.memory_space<vmem>>) offsets(%dma_start3A_301 : memref<128xi32, #tpu.memory_space<vmem>>) semaphore(%arg11 : memref<!tpu.dma_semaphore, #tpu.memory_space<semaphore_mem>>)
    %dma_start3A_305 = arith.constant 10 : i32
    %dma_start3A_306 = arith.constant 0 : i32
    %dma_start3A_307 = arith.constant 0 : i32
    %dma_start3A_308 = arith.constant 0 : i32
    %dma_start3A_309 = tpu.memref_slice %arg8[%dma_start3A_306, %dma_start3A_307, %dma_start3A_308] : memref<2x512x32xf32, #tpu.memory_space<vmem>> -> memref<1x512x32xf32, #tpu.memory_space<vmem>>
    %dma_start3A_310 = tpu.memref_squeeze %dma_start3A_309 : memref<1x512x32xf32, #tpu.memory_space<vmem>> -> memref<512x32xf32, #tpu.memory_space<vmem>>
    %dma_start3A_311 = arith.constant 256 : i32
    %dma_start3A_312 = arith.constant 0 : i32
    %dma_start3A_313 = tpu.memref_slice %dma_start3A_310[%dma_start3A_311, %dma_start3A_312] : memref<512x32xf32, #tpu.memory_space<vmem>> -> memref<128x32xf32, #tpu.memory_space<vmem>>
    %dma_start3A_314 = arith.constant 0 : i32
    %dma_start3A_315 = tpu.memref_slice %arg7[%dma_start3A_305, %dma_start3A_314] : memref<16x128xi32, #tpu.memory_space<vmem>> -> memref<1x128xi32, #tpu.memory_space<vmem>>
    %dma_start3A_316 = tpu.memref_squeeze %dma_start3A_315 : memref<1x128xi32, #tpu.memory_space<vmem>> -> memref<128xi32, #tpu.memory_space<vmem>>
    %dma_start3A_317 = arith.constant 0 : i32
    %dma_start3A_318 = arith.constant 0 : i32
    %dma_start3A_319 = tpu.memref_slice %arg3[%dma_start3A_317, %dma_start3A_318] : memref<8192x32xf32, #tpu.memory_space<hbm>> -> memref<8192x32xf32, #tpu.memory_space<hbm>>
    tpu.enqueue_indirect_dma source(%dma_start3A_319 : memref<8192x32xf32, #tpu.memory_space<hbm>>) target(%dma_start3A_313 : memref<128x32xf32, #tpu.memory_space<vmem>>) offsets(%dma_start3A_316 : memref<128xi32, #tpu.memory_space<vmem>>) semaphore(%arg11 : memref<!tpu.dma_semaphore, #tpu.memory_space<semaphore_mem>>)
    %dma_start3A_320 = arith.constant 11 : i32
    %dma_start3A_321 = arith.constant 0 : i32
    %dma_start3A_322 = arith.constant 0 : i32
    %dma_start3A_323 = arith.constant 0 : i32
    %dma_start3A_324 = tpu.memref_slice %arg8[%dma_start3A_321, %dma_start3A_322, %dma_start3A_323] : memref<2x512x32xf32, #tpu.memory_space<vmem>> -> memref<1x512x32xf32, #tpu.memory_space<vmem>>
    %dma_start3A_325 = tpu.memref_squeeze %dma_start3A_324 : memref<1x512x32xf32, #tpu.memory_space<vmem>> -> memref<512x32xf32, #tpu.memory_space<vmem>>
    %dma_start3A_326 = arith.constant 384 : i32
    %dma_start3A_327 = arith.constant 0 : i32
    %dma_start3A_328 = tpu.memref_slice %dma_start3A_325[%dma_start3A_326, %dma_start3A_327] : memref<512x32xf32, #tpu.memory_space<vmem>> -> memref<128x32xf32, #tpu.memory_space<vmem>>
    %dma_start3A_329 = arith.constant 0 : i32
    %dma_start3A_330 = tpu.memref_slice %arg7[%dma_start3A_320, %dma_start3A_329] : memref<16x128xi32, #tpu.memory_space<vmem>> -> memref<1x128xi32, #tpu.memory_space<vmem>>
    %dma_start3A_331 = tpu.memref_squeeze %dma_start3A_330 : memref<1x128xi32, #tpu.memory_space<vmem>> -> memref<128xi32, #tpu.memory_space<vmem>>
    %dma_start3A_332 = arith.constant 0 : i32
    %dma_start3A_333 = arith.constant 0 : i32
    %dma_start3A_334 = tpu.memref_slice %arg3[%dma_start3A_332, %dma_start3A_333] : memref<8192x32xf32, #tpu.memory_space<hbm>> -> memref<8192x32xf32, #tpu.memory_space<hbm>>
    tpu.enqueue_indirect_dma source(%dma_start3A_334 : memref<8192x32xf32, #tpu.memory_space<hbm>>) target(%dma_start3A_328 : memref<128x32xf32, #tpu.memory_space<vmem>>) offsets(%dma_start3A_331 : memref<128xi32, #tpu.memory_space<vmem>>) semaphore(%arg11 : memref<!tpu.dma_semaphore, #tpu.memory_space<semaphore_mem>>)
    %add3A_335 = arith.constant 1024 : i32
    %add3A_336 = arith.addi %mul3A_2, %add3A_335 : i32
    %dma_start3A_337 = arith.constant 0 : i32
    %dma_start3A_338 = arith.constant 0 : i32
    %dma_start3A_339 = arith.constant 0 : i32
    %dma_start3A_340 = tpu.memref_slice %arg9[%dma_start3A_337, %dma_start3A_338, %dma_start3A_339] : memref<2x512x32xf32, #tpu.memory_space<vmem>> -> memref<1x512x32xf32, #tpu.memory_space<vmem>>
    %dma_start3A_341 = tpu.memref_squeeze %dma_start3A_340 : memref<1x512x32xf32, #tpu.memory_space<vmem>> -> memref<512x32xf32, #tpu.memory_space<vmem>>
    %dma_start3A_342 = arith.constant 0 : i32
    %dma_start3A_343 = tpu.memref_slice %arg4[%add3A_336, %dma_start3A_342] : memref<65536x32xf32, #tpu.memory_space<hbm>> -> memref<512x32xf32, #tpu.memory_space<hbm>>
    %dma_start3A_344 = arith.constant 0 : i32
    %dma_start3A_345 = arith.constant 0 : i32
    %dma_start3A_346 = tpu.memref_slice %arg9[%dma_start3A_337, %dma_start3A_344, %dma_start3A_345] : memref<2x512x32xf32, #tpu.memory_space<vmem>> -> memref<1x512x32xf32, #tpu.memory_space<vmem>>
    %dma_start3A_347 = tpu.memref_squeeze %dma_start3A_346 : memref<1x512x32xf32, #tpu.memory_space<vmem>> -> memref<512x32xf32, #tpu.memory_space<vmem>>
    %dma_start3A_348 = arith.constant 0 : i32
    %dma_start3A_349 = tpu.memref_slice %arg4[%add3A_336, %dma_start3A_348] : memref<65536x32xf32, #tpu.memory_space<hbm>> -> memref<512x32xf32, #tpu.memory_space<hbm>>
    tpu.enqueue_dma source(%dma_start3A_349 : memref<512x32xf32, #tpu.memory_space<hbm>>) target(%dma_start3A_347 : memref<512x32xf32, #tpu.memory_space<vmem>>) target_semaphore(%arg12 : memref<!tpu.dma_semaphore, #tpu.memory_space<semaphore_mem>>)
    %dma_wait3A_350 = arith.constant 4 : i32
    %dma_wait3A_351 = arith.constant 1 : i32
    %dma_wait3A_352 = arith.constant 0 : i32
    %dma_wait3A_353 = arith.constant 0 : i32
    %dma_wait3A_354 = tpu.memref_slice %arg8[%dma_wait3A_351, %dma_wait3A_352, %dma_wait3A_353] : memref<2x512x32xf32, #tpu.memory_space<vmem>> -> memref<1x512x32xf32, #tpu.memory_space<vmem>>
    %dma_wait3A_355 = tpu.memref_squeeze %dma_wait3A_354 : memref<1x512x32xf32, #tpu.memory_space<vmem>> -> memref<512x32xf32, #tpu.memory_space<vmem>>
    %dma_wait3A_356 = arith.constant 0 : i32
    %dma_wait3A_357 = arith.constant 0 : i32
    %dma_wait3A_358 = tpu.memref_slice %dma_wait3A_355[%dma_wait3A_356, %dma_wait3A_357] : memref<512x32xf32, #tpu.memory_space<vmem>> -> memref<128x32xf32, #tpu.memory_space<vmem>>
    %dma_wait3A_359 = arith.constant 0 : i32
    %dma_wait3A_360 = tpu.memref_slice %arg7[%dma_wait3A_350, %dma_wait3A_359] : memref<16x128xi32, #tpu.memory_space<vmem>> -> memref<1x128xi32, #tpu.memory_space<vmem>>
    %dma_wait3A_361 = tpu.memref_squeeze %dma_wait3A_360 : memref<1x128xi32, #tpu.memory_space<vmem>> -> memref<128xi32, #tpu.memory_space<vmem>>
    %dma_wait3A_362 = arith.constant 0 : i32
    %dma_wait3A_363 = arith.constant 0 : i32
    %dma_wait3A_364 = tpu.memref_slice %arg3[%dma_wait3A_362, %dma_wait3A_363] : memref<8192x32xf32, #tpu.memory_space<hbm>> -> memref<8192x32xf32, #tpu.memory_space<hbm>>
    tpu.wait_indirect_dma semaphore(%arg11 : memref<!tpu.dma_semaphore, #tpu.memory_space<semaphore_mem>>) src(%dma_wait3A_364 : memref<8192x32xf32, #tpu.memory_space<hbm>>) dst(%dma_wait3A_358 : memref<128x32xf32, #tpu.memory_space<vmem>>)
    %dma_wait3A_365 = arith.constant 5 : i32
    %dma_wait3A_366 = arith.constant 1 : i32
    %dma_wait3A_367 = arith.constant 0 : i32
    %dma_wait3A_368 = arith.constant 0 : i32
    %dma_wait3A_369 = tpu.memref_slice %arg8[%dma_wait3A_366, %dma_wait3A_367, %dma_wait3A_368] : memref<2x512x32xf32, #tpu.memory_space<vmem>> -> memref<1x512x32xf32, #tpu.memory_space<vmem>>
    %dma_wait3A_370 = tpu.memref_squeeze %dma_wait3A_369 : memref<1x512x32xf32, #tpu.memory_space<vmem>> -> memref<512x32xf32, #tpu.memory_space<vmem>>
    %dma_wait3A_371 = arith.constant 128 : i32
    %dma_wait3A_372 = arith.constant 0 : i32
    %dma_wait3A_373 = tpu.memref_slice %dma_wait3A_370[%dma_wait3A_371, %dma_wait3A_372] : memref<512x32xf32, #tpu.memory_space<vmem>> -> memref<128x32xf32, #tpu.memory_space<vmem>>
    %dma_wait3A_374 = arith.constant 0 : i32
    %dma_wait3A_375 = tpu.memref_slice %arg7[%dma_wait3A_365, %dma_wait3A_374] : memref<16x128xi32, #tpu.memory_space<vmem>> -> memref<1x128xi32, #tpu.memory_space<vmem>>
    %dma_wait3A_376 = tpu.memref_squeeze %dma_wait3A_375 : memref<1x128xi32, #tpu.memory_space<vmem>> -> memref<128xi32, #tpu.memory_space<vmem>>
    %dma_wait3A_377 = arith.constant 0 : i32
    %dma_wait3A_378 = arith.constant 0 : i32
    %dma_wait3A_379 = tpu.memref_slice %arg3[%dma_wait3A_377, %dma_wait3A_378] : memref<8192x32xf32, #tpu.memory_space<hbm>> -> memref<8192x32xf32, #tpu.memory_space<hbm>>
    tpu.wait_indirect_dma semaphore(%arg11 : memref<!tpu.dma_semaphore, #tpu.memory_space<semaphore_mem>>) src(%dma_wait3A_379 : memref<8192x32xf32, #tpu.memory_space<hbm>>) dst(%dma_wait3A_373 : memref<128x32xf32, #tpu.memory_space<vmem>>)
    %dma_wait3A_380 = arith.constant 6 : i32
    %dma_wait3A_381 = arith.constant 1 : i32
    %dma_wait3A_382 = arith.constant 0 : i32
    %dma_wait3A_383 = arith.constant 0 : i32
    %dma_wait3A_384 = tpu.memref_slice %arg8[%dma_wait3A_381, %dma_wait3A_382, %dma_wait3A_383] : memref<2x512x32xf32, #tpu.memory_space<vmem>> -> memref<1x512x32xf32, #tpu.memory_space<vmem>>
    %dma_wait3A_385 = tpu.memref_squeeze %dma_wait3A_384 : memref<1x512x32xf32, #tpu.memory_space<vmem>> -> memref<512x32xf32, #tpu.memory_space<vmem>>
    %dma_wait3A_386 = arith.constant 256 : i32
    %dma_wait3A_387 = arith.constant 0 : i32
    %dma_wait3A_388 = tpu.memref_slice %dma_wait3A_385[%dma_wait3A_386, %dma_wait3A_387] : memref<512x32xf32, #tpu.memory_space<vmem>> -> memref<128x32xf32, #tpu.memory_space<vmem>>
    %dma_wait3A_389 = arith.constant 0 : i32
    %dma_wait3A_390 = tpu.memref_slice %arg7[%dma_wait3A_380, %dma_wait3A_389] : memref<16x128xi32, #tpu.memory_space<vmem>> -> memref<1x128xi32, #tpu.memory_space<vmem>>
    %dma_wait3A_391 = tpu.memref_squeeze %dma_wait3A_390 : memref<1x128xi32, #tpu.memory_space<vmem>> -> memref<128xi32, #tpu.memory_space<vmem>>
    %dma_wait3A_392 = arith.constant 0 : i32
    %dma_wait3A_393 = arith.constant 0 : i32
    %dma_wait3A_394 = tpu.memref_slice %arg3[%dma_wait3A_392, %dma_wait3A_393] : memref<8192x32xf32, #tpu.memory_space<hbm>> -> memref<8192x32xf32, #tpu.memory_space<hbm>>
    tpu.wait_indirect_dma semaphore(%arg11 : memref<!tpu.dma_semaphore, #tpu.memory_space<semaphore_mem>>) src(%dma_wait3A_394 : memref<8192x32xf32, #tpu.memory_space<hbm>>) dst(%dma_wait3A_388 : memref<128x32xf32, #tpu.memory_space<vmem>>)
    %dma_wait3A_395 = arith.constant 7 : i32
    %dma_wait3A_396 = arith.constant 1 : i32
    %dma_wait3A_397 = arith.constant 0 : i32
    %dma_wait3A_398 = arith.constant 0 : i32
    %dma_wait3A_399 = tpu.memref_slice %arg8[%dma_wait3A_396, %dma_wait3A_397, %dma_wait3A_398] : memref<2x512x32xf32, #tpu.memory_space<vmem>> -> memref<1x512x32xf32, #tpu.memory_space<vmem>>
    %dma_wait3A_400 = tpu.memref_squeeze %dma_wait3A_399 : memref<1x512x32xf32, #tpu.memory_space<vmem>> -> memref<512x32xf32, #tpu.memory_space<vmem>>
    %dma_wait3A_401 = arith.constant 384 : i32
    %dma_wait3A_402 = arith.constant 0 : i32
    %dma_wait3A_403 = tpu.memref_slice %dma_wait3A_400[%dma_wait3A_401, %dma_wait3A_402] : memref<512x32xf32, #tpu.memory_space<vmem>> -> memref<128x32xf32, #tpu.memory_space<vmem>>
    %dma_wait3A_404 = arith.constant 0 : i32
    %dma_wait3A_405 = tpu.memref_slice %arg7[%dma_wait3A_395, %dma_wait3A_404] : memref<16x128xi32, #tpu.memory_space<vmem>> -> memref<1x128xi32, #tpu.memory_space<vmem>>
    %dma_wait3A_406 = tpu.memref_squeeze %dma_wait3A_405 : memref<1x128xi32, #tpu.memory_space<vmem>> -> memref<128xi32, #tpu.memory_space<vmem>>
    %dma_wait3A_407 = arith.constant 0 : i32
    %dma_wait3A_408 = arith.constant 0 : i32
    %dma_wait3A_409 = tpu.memref_slice %arg3[%dma_wait3A_407, %dma_wait3A_408] : memref<8192x32xf32, #tpu.memory_space<hbm>> -> memref<8192x32xf32, #tpu.memory_space<hbm>>
    tpu.wait_indirect_dma semaphore(%arg11 : memref<!tpu.dma_semaphore, #tpu.memory_space<semaphore_mem>>) src(%dma_wait3A_409 : memref<8192x32xf32, #tpu.memory_space<hbm>>) dst(%dma_wait3A_403 : memref<128x32xf32, #tpu.memory_space<vmem>>)
    %dma_wait3A_410 = arith.constant 1 : i32
    %dma_wait3A_411 = arith.constant 0 : i32
    %dma_wait3A_412 = arith.constant 0 : i32
    %dma_wait3A_413 = tpu.memref_slice %arg9[%dma_wait3A_410, %dma_wait3A_411, %dma_wait3A_412] : memref<2x512x32xf32, #tpu.memory_space<vmem>> -> memref<1x512x32xf32, #tpu.memory_space<vmem>>
    %dma_wait3A_414 = tpu.memref_squeeze %dma_wait3A_413 : memref<1x512x32xf32, #tpu.memory_space<vmem>> -> memref<512x32xf32, #tpu.memory_space<vmem>>
    %dma_wait3A_415 = arith.constant 0 : i32
    %dma_wait3A_416 = tpu.memref_slice %arg4[%add3A_144, %dma_wait3A_415] : memref<65536x32xf32, #tpu.memory_space<hbm>> -> memref<512x32xf32, #tpu.memory_space<hbm>>
    %dma_wait3A_417 = arith.constant 0 : i32
    %dma_wait3A_418 = arith.constant 0 : i32
    %dma_wait3A_419 = tpu.memref_slice %arg9[%dma_wait3A_410, %dma_wait3A_417, %dma_wait3A_418] : memref<2x512x32xf32, #tpu.memory_space<vmem>> -> memref<1x512x32xf32, #tpu.memory_space<vmem>>
    %dma_wait3A_420 = tpu.memref_squeeze %dma_wait3A_419 : memref<1x512x32xf32, #tpu.memory_space<vmem>> -> memref<512x32xf32, #tpu.memory_space<vmem>>
    %dma_wait3A_421 = arith.constant 0 : i32
    %dma_wait3A_422 = tpu.memref_slice %arg4[%add3A_144, %dma_wait3A_421] : memref<65536x32xf32, #tpu.memory_space<hbm>> -> memref<512x32xf32, #tpu.memory_space<hbm>>
    tpu.wait_dma2 semaphore(%arg12 : memref<!tpu.dma_semaphore, #tpu.memory_space<semaphore_mem>>) src(%dma_wait3A_422 : memref<512x32xf32, #tpu.memory_space<hbm>>) dst(%dma_wait3A_420 : memref<512x32xf32, #tpu.memory_space<vmem>>)
    %broadcast_in_dim3A_423 = arith.constant 0.000000e+00 : f32
    %broadcast_in_dim3A_424 = vector.broadcast %broadcast_in_dim3A_423 : f32 to vector<16xf32>
    %broadcast_in_dim3A_425 = arith.constant 0.000000e+00 : f32
    %broadcast_in_dim3A_426 = vector.broadcast %broadcast_in_dim3A_425 : f32 to vector<16xf32>
    %scan3A_427 = arith.constant 0 : i32
    %scan3A_428 = arith.constant 512 : i32
    %scan3A_429 = arith.addi %scan3A_427, %scan3A_428 : i32
    %scan3A_430 = arith.constant 1 : i32
    %scan3A_431:2 = scf.for %scan3A_785 = %scan3A_427 to %scan3A_429 step %scan3A_430 iter_args(%scan3A_786 = %broadcast_in_dim3A_424, %scan3A_787 = %broadcast_in_dim3A_426) -> (vector<16xf32>, vector<16xf32>)  : i32 {
      %get3A_788 = arith.constant 1 : i32
      %get3A_789 = arith.index_cast %get3A_788 : i32 to index
      %get3A_790 = arith.index_cast %scan3A_785 : i32 to index
      %get3A_791 = arith.constant 0 : index
      %get3A_792 = tpu.vector_load %arg8[%get3A_789, %get3A_790, %get3A_791] {strides = array<i32>} : memref<2x512x32xf32, #tpu.memory_space<vmem>>, vector<1x1x16xf32>,
      %get3A_793 = vector.shape_cast %get3A_792 : vector<1x1x16xf32> to vector<16xf32>
      %get3A_794 = arith.constant 1 : i32
      %get3A_795 = arith.index_cast %get3A_794 : i32 to index
      %get3A_796 = arith.index_cast %scan3A_785 : i32 to index
      %get3A_797 = arith.constant 0 : index
      %get3A_798 = tpu.vector_load %arg9[%get3A_795, %get3A_796, %get3A_797] {strides = array<i32>} : memref<2x512x32xf32, #tpu.memory_space<vmem>>, vector<1x1x16xf32>,
      %get3A_799 = vector.shape_cast %get3A_798 : vector<1x1x16xf32> to vector<16xf32>
      %sub3A = arith.subf %get3A_793, %get3A_799 : vector<16xf32>
      %get3A_800 = arith.constant 1 : i32
      %get3A_801 = arith.index_cast %get3A_800 : i32 to index
      %get3A_802 = arith.index_cast %scan3A_785 : i32 to index
      %get3A_803 = arith.constant 16 : index
      %get3A_804 = tpu.vector_load %arg8[%get3A_801, %get3A_802, %get3A_803] {strides = array<i32>} : memref<2x512x32xf32, #tpu.memory_space<vmem>>, vector<1x1x16xf32>,
      %get3A_805 = vector.shape_cast %get3A_804 : vector<1x1x16xf32> to vector<16xf32>
      %get3A_806 = arith.constant 1 : i32
      %get3A_807 = arith.index_cast %get3A_806 : i32 to index
      %get3A_808 = arith.index_cast %scan3A_785 : i32 to index
      %get3A_809 = arith.constant 16 : index
      %get3A_810 = tpu.vector_load %arg9[%get3A_807, %get3A_808, %get3A_809] {strides = array<i32>} : memref<2x512x32xf32, #tpu.memory_space<vmem>>, vector<1x1x16xf32>,
      %get3A_811 = vector.shape_cast %get3A_810 : vector<1x1x16xf32> to vector<16xf32>
      %sub3A_812 = arith.subf %get3A_805, %get3A_811 : vector<16xf32>
      %mul3A_813 = arith.mulf %sub3A, %sub3A : vector<16xf32>
      %add3A_814 = arith.addf %scan3A_786, %mul3A_813 : vector<16xf32>
      %mul3A_815 = arith.mulf %sub3A_812, %sub3A_812 : vector<16xf32>
      %add3A_816 = arith.addf %scan3A_787, %mul3A_815 : vector<16xf32>
      scf.yield %add3A_814, %add3A_816 : vector<16xf32>, vector<16xf32>
    }
    %scan3A_432 = arith.constant 512 : i32
    %get3A_433 = arith.constant 0 : index
    %get3A_434 = tpu.vector_load %arg10[%get3A_433] {strides = array<i32>} : memref<16xf32, #tpu.memory_space<vmem>>, vector<16xf32>,
    %get3A_435 = vector.shape_cast %get3A_434 : vector<16xf32> to vector<16xf32>
    %add3A_436 = arith.addf %scan3A_431#0, %scan3A_431#1 : vector<16xf32>
    %add3A_437 = arith.addf %get3A_435, %add3A_436 : vector<16xf32>
    %swap3A_438 = arith.constant 0 : index
    %swap3A_439 = tpu.vector_load %arg10[%swap3A_438] {strides = array<i32>} : memref<16xf32, #tpu.memory_space<vmem>>, vector<16xf32>,
    %swap3A_440 = vector.shape_cast %swap3A_439 : vector<16xf32> to vector<16xf32>
    %swap3A_441 = vector.shape_cast %add3A_437 : vector<16xf32> to vector<16xf32>
    tpu.vector_store %arg10[%swap3A_438], %swap3A_441 {strides = array<i32>} : memref<16xf32, #tpu.memory_space<vmem>>, vector<16xf32>,
    %add3A_442 = arith.constant 512 : i32
    %add3A_443 = arith.addi %mul3A_2, %add3A_442 : i32
    %dma_start3A_444 = arith.constant 1 : i32
    %dma_start3A_445 = arith.constant 0 : i32
    %dma_start3A_446 = arith.constant 0 : i32
    %dma_start3A_447 = tpu.memref_slice %arg8[%dma_start3A_444, %dma_start3A_445, %dma_start3A_446] : memref<2x512x32xf32, #tpu.memory_space<vmem>> -> memref<1x512x32xf32, #tpu.memory_space<vmem>>
    %dma_start3A_448 = tpu.memref_squeeze %dma_start3A_447 : memref<1x512x32xf32, #tpu.memory_space<vmem>> -> memref<512x32xf32, #tpu.memory_space<vmem>>
    %dma_start3A_449 = arith.constant 0 : i32
    %dma_start3A_450 = tpu.memref_slice %arg5[%add3A_443, %dma_start3A_449] : memref<65536x32xf32, #tpu.memory_space<hbm>> -> memref<512x32xf32, #tpu.memory_space<hbm>>
    %dma_start3A_451 = arith.constant 0 : i32
    %dma_start3A_452 = tpu.memref_slice %arg5[%add3A_443, %dma_start3A_451] : memref<65536x32xf32, #tpu.memory_space<hbm>> -> memref<512x32xf32, #tpu.memory_space<hbm>>
    %dma_start3A_453 = arith.constant 0 : i32
    %dma_start3A_454 = arith.constant 0 : i32
    %dma_start3A_455 = tpu.memref_slice %arg8[%dma_start3A_444, %dma_start3A_453, %dma_start3A_454] : memref<2x512x32xf32, #tpu.memory_space<vmem>> -> memref<1x512x32xf32, #tpu.memory_space<vmem>>
    %dma_start3A_456 = tpu.memref_squeeze %dma_start3A_455 : memref<1x512x32xf32, #tpu.memory_space<vmem>> -> memref<512x32xf32, #tpu.memory_space<vmem>>
    tpu.enqueue_dma source(%dma_start3A_456 : memref<512x32xf32, #tpu.memory_space<vmem>>) target(%dma_start3A_452 : memref<512x32xf32, #tpu.memory_space<hbm>>) target_semaphore(%arg13 : memref<!tpu.dma_semaphore, #tpu.memory_space<semaphore_mem>>)
    %dma_wait3A_457 = arith.constant 1 : i32
    %dma_wait3A_458 = arith.constant 0 : i32
    %dma_wait3A_459 = arith.constant 0 : i32
    %dma_wait3A_460 = tpu.memref_slice %arg8[%dma_wait3A_457, %dma_wait3A_458, %dma_wait3A_459] : memref<2x512x32xf32, #tpu.memory_space<vmem>> -> memref<1x512x32xf32, #tpu.memory_space<vmem>>
    %dma_wait3A_461 = tpu.memref_squeeze %dma_wait3A_460 : memref<1x512x32xf32, #tpu.memory_space<vmem>> -> memref<512x32xf32, #tpu.memory_space<vmem>>
    %dma_wait3A_462 = arith.constant 0 : i32
    %dma_wait3A_463 = tpu.memref_slice %arg5[%add3A_443, %dma_wait3A_462] : memref<65536x32xf32, #tpu.memory_space<hbm>> -> memref<512x32xf32, #tpu.memory_space<hbm>>
    %dma_wait3A_464 = arith.constant 0 : i32
    %dma_wait3A_465 = tpu.memref_slice %arg5[%add3A_443, %dma_wait3A_464] : memref<65536x32xf32, #tpu.memory_space<hbm>> -> memref<512x32xf32, #tpu.memory_space<hbm>>
    %dma_wait3A_466 = arith.constant 0 : i32
    %dma_wait3A_467 = arith.constant 0 : i32
    %dma_wait3A_468 = tpu.memref_slice %arg8[%dma_wait3A_457, %dma_wait3A_466, %dma_wait3A_467] : memref<2x512x32xf32, #tpu.memory_space<vmem>> -> memref<1x512x32xf32, #tpu.memory_space<vmem>>
    %dma_wait3A_469 = tpu.memref_squeeze %dma_wait3A_468 : memref<1x512x32xf32, #tpu.memory_space<vmem>> -> memref<512x32xf32, #tpu.memory_space<vmem>>
    tpu.wait_dma2 semaphore(%arg13 : memref<!tpu.dma_semaphore, #tpu.memory_space<semaphore_mem>>) src(%dma_wait3A_469 : memref<512x32xf32, #tpu.memory_space<vmem>>) dst(%dma_wait3A_465 : memref<512x32xf32, #tpu.memory_space<hbm>>)
    %dma_start3A_470 = arith.constant 12 : i32
    %dma_start3A_471 = arith.constant 1 : i32
    %dma_start3A_472 = arith.constant 0 : i32
    %dma_start3A_473 = arith.constant 0 : i32
    %dma_start3A_474 = tpu.memref_slice %arg8[%dma_start3A_471, %dma_start3A_472, %dma_start3A_473] : memref<2x512x32xf32, #tpu.memory_space<vmem>> -> memref<1x512x32xf32, #tpu.memory_space<vmem>>
    %dma_start3A_475 = tpu.memref_squeeze %dma_start3A_474 : memref<1x512x32xf32, #tpu.memory_space<vmem>> -> memref<512x32xf32, #tpu.memory_space<vmem>>
    %dma_start3A_476 = arith.constant 0 : i32
    %dma_start3A_477 = arith.constant 0 : i32
    %dma_start3A_478 = tpu.memref_slice %dma_start3A_475[%dma_start3A_476, %dma_start3A_477] : memref<512x32xf32, #tpu.memory_space<vmem>> -> memref<128x32xf32, #tpu.memory_space<vmem>>
    %dma_start3A_479 = arith.constant 0 : i32
    %dma_start3A_480 = tpu.memref_slice %arg7[%dma_start3A_470, %dma_start3A_479] : memref<16x128xi32, #tpu.memory_space<vmem>> -> memref<1x128xi32, #tpu.memory_space<vmem>>
    %dma_start3A_481 = tpu.memref_squeeze %dma_start3A_480 : memref<1x128xi32, #tpu.memory_space<vmem>> -> memref<128xi32, #tpu.memory_space<vmem>>
    %dma_start3A_482 = arith.constant 0 : i32
    %dma_start3A_483 = arith.constant 0 : i32
    %dma_start3A_484 = tpu.memref_slice %arg3[%dma_start3A_482, %dma_start3A_483] : memref<8192x32xf32, #tpu.memory_space<hbm>> -> memref<8192x32xf32, #tpu.memory_space<hbm>>
    tpu.enqueue_indirect_dma source(%dma_start3A_484 : memref<8192x32xf32, #tpu.memory_space<hbm>>) target(%dma_start3A_478 : memref<128x32xf32, #tpu.memory_space<vmem>>) offsets(%dma_start3A_481 : memref<128xi32, #tpu.memory_space<vmem>>) semaphore(%arg11 : memref<!tpu.dma_semaphore, #tpu.memory_space<semaphore_mem>>)
    %dma_start3A_485 = arith.constant 13 : i32
    %dma_start3A_486 = arith.constant 1 : i32
    %dma_start3A_487 = arith.constant 0 : i32
    %dma_start3A_488 = arith.constant 0 : i32
    %dma_start3A_489 = tpu.memref_slice %arg8[%dma_start3A_486, %dma_start3A_487, %dma_start3A_488] : memref<2x512x32xf32, #tpu.memory_space<vmem>> -> memref<1x512x32xf32, #tpu.memory_space<vmem>>
    %dma_start3A_490 = tpu.memref_squeeze %dma_start3A_489 : memref<1x512x32xf32, #tpu.memory_space<vmem>> -> memref<512x32xf32, #tpu.memory_space<vmem>>
    %dma_start3A_491 = arith.constant 128 : i32
    %dma_start3A_492 = arith.constant 0 : i32
    %dma_start3A_493 = tpu.memref_slice %dma_start3A_490[%dma_start3A_491, %dma_start3A_492] : memref<512x32xf32, #tpu.memory_space<vmem>> -> memref<128x32xf32, #tpu.memory_space<vmem>>
    %dma_start3A_494 = arith.constant 0 : i32
    %dma_start3A_495 = tpu.memref_slice %arg7[%dma_start3A_485, %dma_start3A_494] : memref<16x128xi32, #tpu.memory_space<vmem>> -> memref<1x128xi32, #tpu.memory_space<vmem>>
    %dma_start3A_496 = tpu.memref_squeeze %dma_start3A_495 : memref<1x128xi32, #tpu.memory_space<vmem>> -> memref<128xi32, #tpu.memory_space<vmem>>
    %dma_start3A_497 = arith.constant 0 : i32
    %dma_start3A_498 = arith.constant 0 : i32
    %dma_start3A_499 = tpu.memref_slice %arg3[%dma_start3A_497, %dma_start3A_498] : memref<8192x32xf32, #tpu.memory_space<hbm>> -> memref<8192x32xf32, #tpu.memory_space<hbm>>
    tpu.enqueue_indirect_dma source(%dma_start3A_499 : memref<8192x32xf32, #tpu.memory_space<hbm>>) target(%dma_start3A_493 : memref<128x32xf32, #tpu.memory_space<vmem>>) offsets(%dma_start3A_496 : memref<128xi32, #tpu.memory_space<vmem>>) semaphore(%arg11 : memref<!tpu.dma_semaphore, #tpu.memory_space<semaphore_mem>>)
    %dma_start3A_500 = arith.constant 14 : i32
    %dma_start3A_501 = arith.constant 1 : i32
    %dma_start3A_502 = arith.constant 0 : i32
    %dma_start3A_503 = arith.constant 0 : i32
    %dma_start3A_504 = tpu.memref_slice %arg8[%dma_start3A_501, %dma_start3A_502, %dma_start3A_503] : memref<2x512x32xf32, #tpu.memory_space<vmem>> -> memref<1x512x32xf32, #tpu.memory_space<vmem>>
    %dma_start3A_505 = tpu.memref_squeeze %dma_start3A_504 : memref<1x512x32xf32, #tpu.memory_space<vmem>> -> memref<512x32xf32, #tpu.memory_space<vmem>>
    %dma_start3A_506 = arith.constant 256 : i32
    %dma_start3A_507 = arith.constant 0 : i32
    %dma_start3A_508 = tpu.memref_slice %dma_start3A_505[%dma_start3A_506, %dma_start3A_507] : memref<512x32xf32, #tpu.memory_space<vmem>> -> memref<128x32xf32, #tpu.memory_space<vmem>>
    %dma_start3A_509 = arith.constant 0 : i32
    %dma_start3A_510 = tpu.memref_slice %arg7[%dma_start3A_500, %dma_start3A_509] : memref<16x128xi32, #tpu.memory_space<vmem>> -> memref<1x128xi32, #tpu.memory_space<vmem>>
    %dma_start3A_511 = tpu.memref_squeeze %dma_start3A_510 : memref<1x128xi32, #tpu.memory_space<vmem>> -> memref<128xi32, #tpu.memory_space<vmem>>
    %dma_start3A_512 = arith.constant 0 : i32
    %dma_start3A_513 = arith.constant 0 : i32
    %dma_start3A_514 = tpu.memref_slice %arg3[%dma_start3A_512, %dma_start3A_513] : memref<8192x32xf32, #tpu.memory_space<hbm>> -> memref<8192x32xf32, #tpu.memory_space<hbm>>
    tpu.enqueue_indirect_dma source(%dma_start3A_514 : memref<8192x32xf32, #tpu.memory_space<hbm>>) target(%dma_start3A_508 : memref<128x32xf32, #tpu.memory_space<vmem>>) offsets(%dma_start3A_511 : memref<128xi32, #tpu.memory_space<vmem>>) semaphore(%arg11 : memref<!tpu.dma_semaphore, #tpu.memory_space<semaphore_mem>>)
    %dma_start3A_515 = arith.constant 15 : i32
    %dma_start3A_516 = arith.constant 1 : i32
    %dma_start3A_517 = arith.constant 0 : i32
    %dma_start3A_518 = arith.constant 0 : i32
    %dma_start3A_519 = tpu.memref_slice %arg8[%dma_start3A_516, %dma_start3A_517, %dma_start3A_518] : memref<2x512x32xf32, #tpu.memory_space<vmem>> -> memref<1x512x32xf32, #tpu.memory_space<vmem>>
    %dma_start3A_520 = tpu.memref_squeeze %dma_start3A_519 : memref<1x512x32xf32, #tpu.memory_space<vmem>> -> memref<512x32xf32, #tpu.memory_space<vmem>>
    %dma_start3A_521 = arith.constant 384 : i32
    %dma_start3A_522 = arith.constant 0 : i32
    %dma_start3A_523 = tpu.memref_slice %dma_start3A_520[%dma_start3A_521, %dma_start3A_522] : memref<512x32xf32, #tpu.memory_space<vmem>> -> memref<128x32xf32, #tpu.memory_space<vmem>>
    %dma_start3A_524 = arith.constant 0 : i32
    %dma_start3A_525 = tpu.memref_slice %arg7[%dma_start3A_515, %dma_start3A_524] : memref<16x128xi32, #tpu.memory_space<vmem>> -> memref<1x128xi32, #tpu.memory_space<vmem>>
    %dma_start3A_526 = tpu.memref_squeeze %dma_start3A_525 : memref<1x128xi32, #tpu.memory_space<vmem>> -> memref<128xi32, #tpu.memory_space<vmem>>
    %dma_start3A_527 = arith.constant 0 : i32
    %dma_start3A_528 = arith.constant 0 : i32
    %dma_start3A_529 = tpu.memref_slice %arg3[%dma_start3A_527, %dma_start3A_528] : memref<8192x32xf32, #tpu.memory_space<hbm>> -> memref<8192x32xf32, #tpu.memory_space<hbm>>
    tpu.enqueue_indirect_dma source(%dma_start3A_529 : memref<8192x32xf32, #tpu.memory_space<hbm>>) target(%dma_start3A_523 : memref<128x32xf32, #tpu.memory_space<vmem>>) offsets(%dma_start3A_526 : memref<128xi32, #tpu.memory_space<vmem>>) semaphore(%arg11 : memref<!tpu.dma_semaphore, #tpu.memory_space<semaphore_mem>>)
    %add3A_530 = arith.constant 1536 : i32
    %add3A_531 = arith.addi %mul3A_2, %add3A_530 : i32
    %dma_start3A_532 = arith.constant 1 : i32
    %dma_start3A_533 = arith.constant 0 : i32
    %dma_start3A_534 = arith.constant 0 : i32
    %dma_start3A_535 = tpu.memref_slice %arg9[%dma_start3A_532, %dma_start3A_533, %dma_start3A_534] : memref<2x512x32xf32, #tpu.memory_space<vmem>> -> memref<1x512x32xf32, #tpu.memory_space<vmem>>
    %dma_start3A_536 = tpu.memref_squeeze %dma_start3A_535 : memref<1x512x32xf32, #tpu.memory_space<vmem>> -> memref<512x32xf32, #tpu.memory_space<vmem>>
    %dma_start3A_537 = arith.constant 0 : i32
    %dma_start3A_538 = tpu.memref_slice %arg4[%add3A_531, %dma_start3A_537] : memref<65536x32xf32, #tpu.memory_space<hbm>> -> memref<512x32xf32, #tpu.memory_space<hbm>>
    %dma_start3A_539 = arith.constant 0 : i32
    %dma_start3A_540 = arith.constant 0 : i32
    %dma_start3A_541 = tpu.memref_slice %arg9[%dma_start3A_532, %dma_start3A_539, %dma_start3A_540] : memref<2x512x32xf32, #tpu.memory_space<vmem>> -> memref<1x512x32xf32, #tpu.memory_space<vmem>>
    %dma_start3A_542 = tpu.memref_squeeze %dma_start3A_541 : memref<1x512x32xf32, #tpu.memory_space<vmem>> -> memref<512x32xf32, #tpu.memory_space<vmem>>
    %dma_start3A_543 = arith.constant 0 : i32
    %dma_start3A_544 = tpu.memref_slice %arg4[%add3A_531, %dma_start3A_543] : memref<65536x32xf32, #tpu.memory_space<hbm>> -> memref<512x32xf32, #tpu.memory_space<hbm>>
    tpu.enqueue_dma source(%dma_start3A_544 : memref<512x32xf32, #tpu.memory_space<hbm>>) target(%dma_start3A_542 : memref<512x32xf32, #tpu.memory_space<vmem>>) target_semaphore(%arg12 : memref<!tpu.dma_semaphore, #tpu.memory_space<semaphore_mem>>)
    %dma_wait3A_545 = arith.constant 8 : i32
    %dma_wait3A_546 = arith.constant 0 : i32
    %dma_wait3A_547 = arith.constant 0 : i32
    %dma_wait3A_548 = arith.constant 0 : i32
    %dma_wait3A_549 = tpu.memref_slice %arg8[%dma_wait3A_546, %dma_wait3A_547, %dma_wait3A_548] : memref<2x512x32xf32, #tpu.memory_space<vmem>> -> memref<1x512x32xf32, #tpu.memory_space<vmem>>
    %dma_wait3A_550 = tpu.memref_squeeze %dma_wait3A_549 : memref<1x512x32xf32, #tpu.memory_space<vmem>> -> memref<512x32xf32, #tpu.memory_space<vmem>>
    %dma_wait3A_551 = arith.constant 0 : i32
    %dma_wait3A_552 = arith.constant 0 : i32
    %dma_wait3A_553 = tpu.memref_slice %dma_wait3A_550[%dma_wait3A_551, %dma_wait3A_552] : memref<512x32xf32, #tpu.memory_space<vmem>> -> memref<128x32xf32, #tpu.memory_space<vmem>>
    %dma_wait3A_554 = arith.constant 0 : i32
    %dma_wait3A_555 = tpu.memref_slice %arg7[%dma_wait3A_545, %dma_wait3A_554] : memref<16x128xi32, #tpu.memory_space<vmem>> -> memref<1x128xi32, #tpu.memory_space<vmem>>
    %dma_wait3A_556 = tpu.memref_squeeze %dma_wait3A_555 : memref<1x128xi32, #tpu.memory_space<vmem>> -> memref<128xi32, #tpu.memory_space<vmem>>
    %dma_wait3A_557 = arith.constant 0 : i32
    %dma_wait3A_558 = arith.constant 0 : i32
    %dma_wait3A_559 = tpu.memref_slice %arg3[%dma_wait3A_557, %dma_wait3A_558] : memref<8192x32xf32, #tpu.memory_space<hbm>> -> memref<8192x32xf32, #tpu.memory_space<hbm>>
    tpu.wait_indirect_dma semaphore(%arg11 : memref<!tpu.dma_semaphore, #tpu.memory_space<semaphore_mem>>) src(%dma_wait3A_559 : memref<8192x32xf32, #tpu.memory_space<hbm>>) dst(%dma_wait3A_553 : memref<128x32xf32, #tpu.memory_space<vmem>>)
    %dma_wait3A_560 = arith.constant 9 : i32
    %dma_wait3A_561 = arith.constant 0 : i32
    %dma_wait3A_562 = arith.constant 0 : i32
    %dma_wait3A_563 = arith.constant 0 : i32
    %dma_wait3A_564 = tpu.memref_slice %arg8[%dma_wait3A_561, %dma_wait3A_562, %dma_wait3A_563] : memref<2x512x32xf32, #tpu.memory_space<vmem>> -> memref<1x512x32xf32, #tpu.memory_space<vmem>>
    %dma_wait3A_565 = tpu.memref_squeeze %dma_wait3A_564 : memref<1x512x32xf32, #tpu.memory_space<vmem>> -> memref<512x32xf32, #tpu.memory_space<vmem>>
    %dma_wait3A_566 = arith.constant 128 : i32
    %dma_wait3A_567 = arith.constant 0 : i32
    %dma_wait3A_568 = tpu.memref_slice %dma_wait3A_565[%dma_wait3A_566, %dma_wait3A_567] : memref<512x32xf32, #tpu.memory_space<vmem>> -> memref<128x32xf32, #tpu.memory_space<vmem>>
    %dma_wait3A_569 = arith.constant 0 : i32
    %dma_wait3A_570 = tpu.memref_slice %arg7[%dma_wait3A_560, %dma_wait3A_569] : memref<16x128xi32, #tpu.memory_space<vmem>> -> memref<1x128xi32, #tpu.memory_space<vmem>>
    %dma_wait3A_571 = tpu.memref_squeeze %dma_wait3A_570 : memref<1x128xi32, #tpu.memory_space<vmem>> -> memref<128xi32, #tpu.memory_space<vmem>>
    %dma_wait3A_572 = arith.constant 0 : i32
    %dma_wait3A_573 = arith.constant 0 : i32
    %dma_wait3A_574 = tpu.memref_slice %arg3[%dma_wait3A_572, %dma_wait3A_573] : memref<8192x32xf32, #tpu.memory_space<hbm>> -> memref<8192x32xf32, #tpu.memory_space<hbm>>
    tpu.wait_indirect_dma semaphore(%arg11 : memref<!tpu.dma_semaphore, #tpu.memory_space<semaphore_mem>>) src(%dma_wait3A_574 : memref<8192x32xf32, #tpu.memory_space<hbm>>) dst(%dma_wait3A_568 : memref<128x32xf32, #tpu.memory_space<vmem>>)
    %dma_wait3A_575 = arith.constant 10 : i32
    %dma_wait3A_576 = arith.constant 0 : i32
    %dma_wait3A_577 = arith.constant 0 : i32
    %dma_wait3A_578 = arith.constant 0 : i32
    %dma_wait3A_579 = tpu.memref_slice %arg8[%dma_wait3A_576, %dma_wait3A_577, %dma_wait3A_578] : memref<2x512x32xf32, #tpu.memory_space<vmem>> -> memref<1x512x32xf32, #tpu.memory_space<vmem>>
    %dma_wait3A_580 = tpu.memref_squeeze %dma_wait3A_579 : memref<1x512x32xf32, #tpu.memory_space<vmem>> -> memref<512x32xf32, #tpu.memory_space<vmem>>
    %dma_wait3A_581 = arith.constant 256 : i32
    %dma_wait3A_582 = arith.constant 0 : i32
    %dma_wait3A_583 = tpu.memref_slice %dma_wait3A_580[%dma_wait3A_581, %dma_wait3A_582] : memref<512x32xf32, #tpu.memory_space<vmem>> -> memref<128x32xf32, #tpu.memory_space<vmem>>
    %dma_wait3A_584 = arith.constant 0 : i32
    %dma_wait3A_585 = tpu.memref_slice %arg7[%dma_wait3A_575, %dma_wait3A_584] : memref<16x128xi32, #tpu.memory_space<vmem>> -> memref<1x128xi32, #tpu.memory_space<vmem>>
    %dma_wait3A_586 = tpu.memref_squeeze %dma_wait3A_585 : memref<1x128xi32, #tpu.memory_space<vmem>> -> memref<128xi32, #tpu.memory_space<vmem>>
    %dma_wait3A_587 = arith.constant 0 : i32
    %dma_wait3A_588 = arith.constant 0 : i32
    %dma_wait3A_589 = tpu.memref_slice %arg3[%dma_wait3A_587, %dma_wait3A_588] : memref<8192x32xf32, #tpu.memory_space<hbm>> -> memref<8192x32xf32, #tpu.memory_space<hbm>>
    tpu.wait_indirect_dma semaphore(%arg11 : memref<!tpu.dma_semaphore, #tpu.memory_space<semaphore_mem>>) src(%dma_wait3A_589 : memref<8192x32xf32, #tpu.memory_space<hbm>>) dst(%dma_wait3A_583 : memref<128x32xf32, #tpu.memory_space<vmem>>)
    %dma_wait3A_590 = arith.constant 11 : i32
    %dma_wait3A_591 = arith.constant 0 : i32
    %dma_wait3A_592 = arith.constant 0 : i32
    %dma_wait3A_593 = arith.constant 0 : i32
    %dma_wait3A_594 = tpu.memref_slice %arg8[%dma_wait3A_591, %dma_wait3A_592, %dma_wait3A_593] : memref<2x512x32xf32, #tpu.memory_space<vmem>> -> memref<1x512x32xf32, #tpu.memory_space<vmem>>
    %dma_wait3A_595 = tpu.memref_squeeze %dma_wait3A_594 : memref<1x512x32xf32, #tpu.memory_space<vmem>> -> memref<512x32xf32, #tpu.memory_space<vmem>>
    %dma_wait3A_596 = arith.constant 384 : i32
    %dma_wait3A_597 = arith.constant 0 : i32
    %dma_wait3A_598 = tpu.memref_slice %dma_wait3A_595[%dma_wait3A_596, %dma_wait3A_597] : memref<512x32xf32, #tpu.memory_space<vmem>> -> memref<128x32xf32, #tpu.memory_space<vmem>>
    %dma_wait3A_599 = arith.constant 0 : i32
    %dma_wait3A_600 = tpu.memref_slice %arg7[%dma_wait3A_590, %dma_wait3A_599] : memref<16x128xi32, #tpu.memory_space<vmem>> -> memref<1x128xi32, #tpu.memory_space<vmem>>
    %dma_wait3A_601 = tpu.memref_squeeze %dma_wait3A_600 : memref<1x128xi32, #tpu.memory_space<vmem>> -> memref<128xi32, #tpu.memory_space<vmem>>
    %dma_wait3A_602 = arith.constant 0 : i32
    %dma_wait3A_603 = arith.constant 0 : i32
    %dma_wait3A_604 = tpu.memref_slice %arg3[%dma_wait3A_602, %dma_wait3A_603] : memref<8192x32xf32, #tpu.memory_space<hbm>> -> memref<8192x32xf32, #tpu.memory_space<hbm>>
    tpu.wait_indirect_dma semaphore(%arg11 : memref<!tpu.dma_semaphore, #tpu.memory_space<semaphore_mem>>) src(%dma_wait3A_604 : memref<8192x32xf32, #tpu.memory_space<hbm>>) dst(%dma_wait3A_598 : memref<128x32xf32, #tpu.memory_space<vmem>>)
    %dma_wait3A_605 = arith.constant 0 : i32
    %dma_wait3A_606 = arith.constant 0 : i32
    %dma_wait3A_607 = arith.constant 0 : i32
    %dma_wait3A_608 = tpu.memref_slice %arg9[%dma_wait3A_605, %dma_wait3A_606, %dma_wait3A_607] : memref<2x512x32xf32, #tpu.memory_space<vmem>> -> memref<1x512x32xf32, #tpu.memory_space<vmem>>
    %dma_wait3A_609 = tpu.memref_squeeze %dma_wait3A_608 : memref<1x512x32xf32, #tpu.memory_space<vmem>> -> memref<512x32xf32, #tpu.memory_space<vmem>>
    %dma_wait3A_610 = arith.constant 0 : i32
    %dma_wait3A_611 = tpu.memref_slice %arg4[%add3A_336, %dma_wait3A_610] : memref<65536x32xf32, #tpu.memory_space<hbm>> -> memref<512x32xf32, #tpu.memory_space<hbm>>
    %dma_wait3A_612 = arith.constant 0 : i32
    %dma_wait3A_613 = arith.constant 0 : i32
    %dma_wait3A_614 = tpu.memref_slice %arg9[%dma_wait3A_605, %dma_wait3A_612, %dma_wait3A_613] : memref<2x512x32xf32, #tpu.memory_space<vmem>> -> memref<1x512x32xf32, #tpu.memory_space<vmem>>
    %dma_wait3A_615 = tpu.memref_squeeze %dma_wait3A_614 : memref<1x512x32xf32, #tpu.memory_space<vmem>> -> memref<512x32xf32, #tpu.memory_space<vmem>>
    %dma_wait3A_616 = arith.constant 0 : i32
    %dma_wait3A_617 = tpu.memref_slice %arg4[%add3A_336, %dma_wait3A_616] : memref<65536x32xf32, #tpu.memory_space<hbm>> -> memref<512x32xf32, #tpu.memory_space<hbm>>
    tpu.wait_dma2 semaphore(%arg12 : memref<!tpu.dma_semaphore, #tpu.memory_space<semaphore_mem>>) src(%dma_wait3A_617 : memref<512x32xf32, #tpu.memory_space<hbm>>) dst(%dma_wait3A_615 : memref<512x32xf32, #tpu.memory_space<vmem>>)
    %broadcast_in_dim3A_618 = arith.constant 0.000000e+00 : f32
    %broadcast_in_dim3A_619 = vector.broadcast %broadcast_in_dim3A_618 : f32 to vector<16xf32>
    %broadcast_in_dim3A_620 = arith.constant 0.000000e+00 : f32
    %broadcast_in_dim3A_621 = vector.broadcast %broadcast_in_dim3A_620 : f32 to vector<16xf32>
    %scan3A_622 = arith.constant 0 : i32
    %scan3A_623 = arith.constant 512 : i32
    %scan3A_624 = arith.addi %scan3A_622, %scan3A_623 : i32
    %scan3A_625 = arith.constant 1 : i32
    %scan3A_626:2 = scf.for %scan3A_785 = %scan3A_622 to %scan3A_624 step %scan3A_625 iter_args(%scan3A_786 = %broadcast_in_dim3A_619, %scan3A_787 = %broadcast_in_dim3A_621) -> (vector<16xf32>, vector<16xf32>)  : i32 {
      %get3A_788 = arith.constant 0 : i32
      %get3A_789 = arith.index_cast %get3A_788 : i32 to index
      %get3A_790 = arith.index_cast %scan3A_785 : i32 to index
      %get3A_791 = arith.constant 0 : index
      %get3A_792 = tpu.vector_load %arg8[%get3A_789, %get3A_790, %get3A_791] {strides = array<i32>} : memref<2x512x32xf32, #tpu.memory_space<vmem>>, vector<1x1x16xf32>,
      %get3A_793 = vector.shape_cast %get3A_792 : vector<1x1x16xf32> to vector<16xf32>
      %get3A_794 = arith.constant 0 : i32
      %get3A_795 = arith.index_cast %get3A_794 : i32 to index
      %get3A_796 = arith.index_cast %scan3A_785 : i32 to index
      %get3A_797 = arith.constant 0 : index
      %get3A_798 = tpu.vector_load %arg9[%get3A_795, %get3A_796, %get3A_797] {strides = array<i32>} : memref<2x512x32xf32, #tpu.memory_space<vmem>>, vector<1x1x16xf32>,
      %get3A_799 = vector.shape_cast %get3A_798 : vector<1x1x16xf32> to vector<16xf32>
      %sub3A = arith.subf %get3A_793, %get3A_799 : vector<16xf32>
      %get3A_800 = arith.constant 0 : i32
      %get3A_801 = arith.index_cast %get3A_800 : i32 to index
      %get3A_802 = arith.index_cast %scan3A_785 : i32 to index
      %get3A_803 = arith.constant 16 : index
      %get3A_804 = tpu.vector_load %arg8[%get3A_801, %get3A_802, %get3A_803] {strides = array<i32>} : memref<2x512x32xf32, #tpu.memory_space<vmem>>, vector<1x1x16xf32>,
      %get3A_805 = vector.shape_cast %get3A_804 : vector<1x1x16xf32> to vector<16xf32>
      %get3A_806 = arith.constant 0 : i32
      %get3A_807 = arith.index_cast %get3A_806 : i32 to index
      %get3A_808 = arith.index_cast %scan3A_785 : i32 to index
      %get3A_809 = arith.constant 16 : index
      %get3A_810 = tpu.vector_load %arg9[%get3A_807, %get3A_808, %get3A_809] {strides = array<i32>} : memref<2x512x32xf32, #tpu.memory_space<vmem>>, vector<1x1x16xf32>,
      %get3A_811 = vector.shape_cast %get3A_810 : vector<1x1x16xf32> to vector<16xf32>
      %sub3A_812 = arith.subf %get3A_805, %get3A_811 : vector<16xf32>
      %mul3A_813 = arith.mulf %sub3A, %sub3A : vector<16xf32>
      %add3A_814 = arith.addf %scan3A_786, %mul3A_813 : vector<16xf32>
      %mul3A_815 = arith.mulf %sub3A_812, %sub3A_812 : vector<16xf32>
      %add3A_816 = arith.addf %scan3A_787, %mul3A_815 : vector<16xf32>
      scf.yield %add3A_814, %add3A_816 : vector<16xf32>, vector<16xf32>
    }
    %scan3A_627 = arith.constant 512 : i32
    %get3A_628 = arith.constant 0 : index
    %get3A_629 = tpu.vector_load %arg10[%get3A_628] {strides = array<i32>} : memref<16xf32, #tpu.memory_space<vmem>>, vector<16xf32>,
    %get3A_630 = vector.shape_cast %get3A_629 : vector<16xf32> to vector<16xf32>
    %add3A_631 = arith.addf %scan3A_626#0, %scan3A_626#1 : vector<16xf32>
    %add3A_632 = arith.addf %get3A_630, %add3A_631 : vector<16xf32>
    %swap3A_633 = arith.constant 0 : index
    %swap3A_634 = tpu.vector_load %arg10[%swap3A_633] {strides = array<i32>} : memref<16xf32, #tpu.memory_space<vmem>>, vector<16xf32>,
    %swap3A_635 = vector.shape_cast %swap3A_634 : vector<16xf32> to vector<16xf32>
    %swap3A_636 = vector.shape_cast %add3A_632 : vector<16xf32> to vector<16xf32>
    tpu.vector_store %arg10[%swap3A_633], %swap3A_636 {strides = array<i32>} : memref<16xf32, #tpu.memory_space<vmem>>, vector<16xf32>,
    %add3A_637 = arith.constant 1024 : i32
    %add3A_638 = arith.addi %mul3A_2, %add3A_637 : i32
    %dma_start3A_639 = arith.constant 0 : i32
    %dma_start3A_640 = arith.constant 0 : i32
    %dma_start3A_641 = arith.constant 0 : i32
    %dma_start3A_642 = tpu.memref_slice %arg8[%dma_start3A_639, %dma_start3A_640, %dma_start3A_641] : memref<2x512x32xf32, #tpu.memory_space<vmem>> -> memref<1x512x32xf32, #tpu.memory_space<vmem>>
    %dma_start3A_643 = tpu.memref_squeeze %dma_start3A_642 : memref<1x512x32xf32, #tpu.memory_space<vmem>> -> memref<512x32xf32, #tpu.memory_space<vmem>>
    %dma_start3A_644 = arith.constant 0 : i32
    %dma_start3A_645 = tpu.memref_slice %arg5[%add3A_638, %dma_start3A_644] : memref<65536x32xf32, #tpu.memory_space<hbm>> -> memref<512x32xf32, #tpu.memory_space<hbm>>
    %dma_start3A_646 = arith.constant 0 : i32
    %dma_start3A_647 = tpu.memref_slice %arg5[%add3A_638, %dma_start3A_646] : memref<65536x32xf32, #tpu.memory_space<hbm>> -> memref<512x32xf32, #tpu.memory_space<hbm>>
    %dma_start3A_648 = arith.constant 0 : i32
    %dma_start3A_649 = arith.constant 0 : i32
    %dma_start3A_650 = tpu.memref_slice %arg8[%dma_start3A_639, %dma_start3A_648, %dma_start3A_649] : memref<2x512x32xf32, #tpu.memory_space<vmem>> -> memref<1x512x32xf32, #tpu.memory_space<vmem>>
    %dma_start3A_651 = tpu.memref_squeeze %dma_start3A_650 : memref<1x512x32xf32, #tpu.memory_space<vmem>> -> memref<512x32xf32, #tpu.memory_space<vmem>>
    tpu.enqueue_dma source(%dma_start3A_651 : memref<512x32xf32, #tpu.memory_space<vmem>>) target(%dma_start3A_647 : memref<512x32xf32, #tpu.memory_space<hbm>>) target_semaphore(%arg13 : memref<!tpu.dma_semaphore, #tpu.memory_space<semaphore_mem>>)
    %dma_wait3A_652 = arith.constant 12 : i32
    %dma_wait3A_653 = arith.constant 1 : i32
    %dma_wait3A_654 = arith.constant 0 : i32
    %dma_wait3A_655 = arith.constant 0 : i32
    %dma_wait3A_656 = tpu.memref_slice %arg8[%dma_wait3A_653, %dma_wait3A_654, %dma_wait3A_655] : memref<2x512x32xf32, #tpu.memory_space<vmem>> -> memref<1x512x32xf32, #tpu.memory_space<vmem>>
    %dma_wait3A_657 = tpu.memref_squeeze %dma_wait3A_656 : memref<1x512x32xf32, #tpu.memory_space<vmem>> -> memref<512x32xf32, #tpu.memory_space<vmem>>
    %dma_wait3A_658 = arith.constant 0 : i32
    %dma_wait3A_659 = arith.constant 0 : i32
    %dma_wait3A_660 = tpu.memref_slice %dma_wait3A_657[%dma_wait3A_658, %dma_wait3A_659] : memref<512x32xf32, #tpu.memory_space<vmem>> -> memref<128x32xf32, #tpu.memory_space<vmem>>
    %dma_wait3A_661 = arith.constant 0 : i32
    %dma_wait3A_662 = tpu.memref_slice %arg7[%dma_wait3A_652, %dma_wait3A_661] : memref<16x128xi32, #tpu.memory_space<vmem>> -> memref<1x128xi32, #tpu.memory_space<vmem>>
    %dma_wait3A_663 = tpu.memref_squeeze %dma_wait3A_662 : memref<1x128xi32, #tpu.memory_space<vmem>> -> memref<128xi32, #tpu.memory_space<vmem>>
    %dma_wait3A_664 = arith.constant 0 : i32
    %dma_wait3A_665 = arith.constant 0 : i32
    %dma_wait3A_666 = tpu.memref_slice %arg3[%dma_wait3A_664, %dma_wait3A_665] : memref<8192x32xf32, #tpu.memory_space<hbm>> -> memref<8192x32xf32, #tpu.memory_space<hbm>>
    tpu.wait_indirect_dma semaphore(%arg11 : memref<!tpu.dma_semaphore, #tpu.memory_space<semaphore_mem>>) src(%dma_wait3A_666 : memref<8192x32xf32, #tpu.memory_space<hbm>>) dst(%dma_wait3A_660 : memref<128x32xf32, #tpu.memory_space<vmem>>)
    %dma_wait3A_667 = arith.constant 13 : i32
    %dma_wait3A_668 = arith.constant 1 : i32
    %dma_wait3A_669 = arith.constant 0 : i32
    %dma_wait3A_670 = arith.constant 0 : i32
    %dma_wait3A_671 = tpu.memref_slice %arg8[%dma_wait3A_668, %dma_wait3A_669, %dma_wait3A_670] : memref<2x512x32xf32, #tpu.memory_space<vmem>> -> memref<1x512x32xf32, #tpu.memory_space<vmem>>
    %dma_wait3A_672 = tpu.memref_squeeze %dma_wait3A_671 : memref<1x512x32xf32, #tpu.memory_space<vmem>> -> memref<512x32xf32, #tpu.memory_space<vmem>>
    %dma_wait3A_673 = arith.constant 128 : i32
    %dma_wait3A_674 = arith.constant 0 : i32
    %dma_wait3A_675 = tpu.memref_slice %dma_wait3A_672[%dma_wait3A_673, %dma_wait3A_674] : memref<512x32xf32, #tpu.memory_space<vmem>> -> memref<128x32xf32, #tpu.memory_space<vmem>>
    %dma_wait3A_676 = arith.constant 0 : i32
    %dma_wait3A_677 = tpu.memref_slice %arg7[%dma_wait3A_667, %dma_wait3A_676] : memref<16x128xi32, #tpu.memory_space<vmem>> -> memref<1x128xi32, #tpu.memory_space<vmem>>
    %dma_wait3A_678 = tpu.memref_squeeze %dma_wait3A_677 : memref<1x128xi32, #tpu.memory_space<vmem>> -> memref<128xi32, #tpu.memory_space<vmem>>
    %dma_wait3A_679 = arith.constant 0 : i32
    %dma_wait3A_680 = arith.constant 0 : i32
    %dma_wait3A_681 = tpu.memref_slice %arg3[%dma_wait3A_679, %dma_wait3A_680] : memref<8192x32xf32, #tpu.memory_space<hbm>> -> memref<8192x32xf32, #tpu.memory_space<hbm>>
    tpu.wait_indirect_dma semaphore(%arg11 : memref<!tpu.dma_semaphore, #tpu.memory_space<semaphore_mem>>) src(%dma_wait3A_681 : memref<8192x32xf32, #tpu.memory_space<hbm>>) dst(%dma_wait3A_675 : memref<128x32xf32, #tpu.memory_space<vmem>>)
    %dma_wait3A_682 = arith.constant 14 : i32
    %dma_wait3A_683 = arith.constant 1 : i32
    %dma_wait3A_684 = arith.constant 0 : i32
    %dma_wait3A_685 = arith.constant 0 : i32
    %dma_wait3A_686 = tpu.memref_slice %arg8[%dma_wait3A_683, %dma_wait3A_684, %dma_wait3A_685] : memref<2x512x32xf32, #tpu.memory_space<vmem>> -> memref<1x512x32xf32, #tpu.memory_space<vmem>>
    %dma_wait3A_687 = tpu.memref_squeeze %dma_wait3A_686 : memref<1x512x32xf32, #tpu.memory_space<vmem>> -> memref<512x32xf32, #tpu.memory_space<vmem>>
    %dma_wait3A_688 = arith.constant 256 : i32
    %dma_wait3A_689 = arith.constant 0 : i32
    %dma_wait3A_690 = tpu.memref_slice %dma_wait3A_687[%dma_wait3A_688, %dma_wait3A_689] : memref<512x32xf32, #tpu.memory_space<vmem>> -> memref<128x32xf32, #tpu.memory_space<vmem>>
    %dma_wait3A_691 = arith.constant 0 : i32
    %dma_wait3A_692 = tpu.memref_slice %arg7[%dma_wait3A_682, %dma_wait3A_691] : memref<16x128xi32, #tpu.memory_space<vmem>> -> memref<1x128xi32, #tpu.memory_space<vmem>>
    %dma_wait3A_693 = tpu.memref_squeeze %dma_wait3A_692 : memref<1x128xi32, #tpu.memory_space<vmem>> -> memref<128xi32, #tpu.memory_space<vmem>>
    %dma_wait3A_694 = arith.constant 0 : i32
    %dma_wait3A_695 = arith.constant 0 : i32
    %dma_wait3A_696 = tpu.memref_slice %arg3[%dma_wait3A_694, %dma_wait3A_695] : memref<8192x32xf32, #tpu.memory_space<hbm>> -> memref<8192x32xf32, #tpu.memory_space<hbm>>
    tpu.wait_indirect_dma semaphore(%arg11 : memref<!tpu.dma_semaphore, #tpu.memory_space<semaphore_mem>>) src(%dma_wait3A_696 : memref<8192x32xf32, #tpu.memory_space<hbm>>) dst(%dma_wait3A_690 : memref<128x32xf32, #tpu.memory_space<vmem>>)
    %dma_wait3A_697 = arith.constant 15 : i32
    %dma_wait3A_698 = arith.constant 1 : i32
    %dma_wait3A_699 = arith.constant 0 : i32
    %dma_wait3A_700 = arith.constant 0 : i32
    %dma_wait3A_701 = tpu.memref_slice %arg8[%dma_wait3A_698, %dma_wait3A_699, %dma_wait3A_700] : memref<2x512x32xf32, #tpu.memory_space<vmem>> -> memref<1x512x32xf32, #tpu.memory_space<vmem>>
    %dma_wait3A_702 = tpu.memref_squeeze %dma_wait3A_701 : memref<1x512x32xf32, #tpu.memory_space<vmem>> -> memref<512x32xf32, #tpu.memory_space<vmem>>
    %dma_wait3A_703 = arith.constant 384 : i32
    %dma_wait3A_704 = arith.constant 0 : i32
    %dma_wait3A_705 = tpu.memref_slice %dma_wait3A_702[%dma_wait3A_703, %dma_wait3A_704] : memref<512x32xf32, #tpu.memory_space<vmem>> -> memref<128x32xf32, #tpu.memory_space<vmem>>
    %dma_wait3A_706 = arith.constant 0 : i32
    %dma_wait3A_707 = tpu.memref_slice %arg7[%dma_wait3A_697, %dma_wait3A_706] : memref<16x128xi32, #tpu.memory_space<vmem>> -> memref<1x128xi32, #tpu.memory_space<vmem>>
    %dma_wait3A_708 = tpu.memref_squeeze %dma_wait3A_707 : memref<1x128xi32, #tpu.memory_space<vmem>> -> memref<128xi32, #tpu.memory_space<vmem>>
    %dma_wait3A_709 = arith.constant 0 : i32
    %dma_wait3A_710 = arith.constant 0 : i32
    %dma_wait3A_711 = tpu.memref_slice %arg3[%dma_wait3A_709, %dma_wait3A_710] : memref<8192x32xf32, #tpu.memory_space<hbm>> -> memref<8192x32xf32, #tpu.memory_space<hbm>>
    tpu.wait_indirect_dma semaphore(%arg11 : memref<!tpu.dma_semaphore, #tpu.memory_space<semaphore_mem>>) src(%dma_wait3A_711 : memref<8192x32xf32, #tpu.memory_space<hbm>>) dst(%dma_wait3A_705 : memref<128x32xf32, #tpu.memory_space<vmem>>)
    %dma_wait3A_712 = arith.constant 1 : i32
    %dma_wait3A_713 = arith.constant 0 : i32
    %dma_wait3A_714 = arith.constant 0 : i32
    %dma_wait3A_715 = tpu.memref_slice %arg9[%dma_wait3A_712, %dma_wait3A_713, %dma_wait3A_714] : memref<2x512x32xf32, #tpu.memory_space<vmem>> -> memref<1x512x32xf32, #tpu.memory_space<vmem>>
    %dma_wait3A_716 = tpu.memref_squeeze %dma_wait3A_715 : memref<1x512x32xf32, #tpu.memory_space<vmem>> -> memref<512x32xf32, #tpu.memory_space<vmem>>
    %dma_wait3A_717 = arith.constant 0 : i32
    %dma_wait3A_718 = tpu.memref_slice %arg4[%add3A_531, %dma_wait3A_717] : memref<65536x32xf32, #tpu.memory_space<hbm>> -> memref<512x32xf32, #tpu.memory_space<hbm>>
    %dma_wait3A_719 = arith.constant 0 : i32
    %dma_wait3A_720 = arith.constant 0 : i32
    %dma_wait3A_721 = tpu.memref_slice %arg9[%dma_wait3A_712, %dma_wait3A_719, %dma_wait3A_720] : memref<2x512x32xf32, #tpu.memory_space<vmem>> -> memref<1x512x32xf32, #tpu.memory_space<vmem>>
    %dma_wait3A_722 = tpu.memref_squeeze %dma_wait3A_721 : memref<1x512x32xf32, #tpu.memory_space<vmem>> -> memref<512x32xf32, #tpu.memory_space<vmem>>
    %dma_wait3A_723 = arith.constant 0 : i32
    %dma_wait3A_724 = tpu.memref_slice %arg4[%add3A_531, %dma_wait3A_723] : memref<65536x32xf32, #tpu.memory_space<hbm>> -> memref<512x32xf32, #tpu.memory_space<hbm>>
    tpu.wait_dma2 semaphore(%arg12 : memref<!tpu.dma_semaphore, #tpu.memory_space<semaphore_mem>>) src(%dma_wait3A_724 : memref<512x32xf32, #tpu.memory_space<hbm>>) dst(%dma_wait3A_722 : memref<512x32xf32, #tpu.memory_space<vmem>>)
    %broadcast_in_dim3A_725 = arith.constant 0.000000e+00 : f32
    %broadcast_in_dim3A_726 = vector.broadcast %broadcast_in_dim3A_725 : f32 to vector<16xf32>
    %broadcast_in_dim3A_727 = arith.constant 0.000000e+00 : f32
    %broadcast_in_dim3A_728 = vector.broadcast %broadcast_in_dim3A_727 : f32 to vector<16xf32>
    %scan3A_729 = arith.constant 0 : i32
    %scan3A_730 = arith.constant 512 : i32
    %scan3A_731 = arith.addi %scan3A_729, %scan3A_730 : i32
    %scan3A_732 = arith.constant 1 : i32
    %scan3A_733:2 = scf.for %scan3A_785 = %scan3A_729 to %scan3A_731 step %scan3A_732 iter_args(%scan3A_786 = %broadcast_in_dim3A_726, %scan3A_787 = %broadcast_in_dim3A_728) -> (vector<16xf32>, vector<16xf32>)  : i32 {
      %get3A_788 = arith.constant 1 : i32
      %get3A_789 = arith.index_cast %get3A_788 : i32 to index
      %get3A_790 = arith.index_cast %scan3A_785 : i32 to index
      %get3A_791 = arith.constant 0 : index
      %get3A_792 = tpu.vector_load %arg8[%get3A_789, %get3A_790, %get3A_791] {strides = array<i32>} : memref<2x512x32xf32, #tpu.memory_space<vmem>>, vector<1x1x16xf32>,
      %get3A_793 = vector.shape_cast %get3A_792 : vector<1x1x16xf32> to vector<16xf32>
      %get3A_794 = arith.constant 1 : i32
      %get3A_795 = arith.index_cast %get3A_794 : i32 to index
      %get3A_796 = arith.index_cast %scan3A_785 : i32 to index
      %get3A_797 = arith.constant 0 : index
      %get3A_798 = tpu.vector_load %arg9[%get3A_795, %get3A_796, %get3A_797] {strides = array<i32>} : memref<2x512x32xf32, #tpu.memory_space<vmem>>, vector<1x1x16xf32>,
      %get3A_799 = vector.shape_cast %get3A_798 : vector<1x1x16xf32> to vector<16xf32>
      %sub3A = arith.subf %get3A_793, %get3A_799 : vector<16xf32>
      %get3A_800 = arith.constant 1 : i32
      %get3A_801 = arith.index_cast %get3A_800 : i32 to index
      %get3A_802 = arith.index_cast %scan3A_785 : i32 to index
      %get3A_803 = arith.constant 16 : index
      %get3A_804 = tpu.vector_load %arg8[%get3A_801, %get3A_802, %get3A_803] {strides = array<i32>} : memref<2x512x32xf32, #tpu.memory_space<vmem>>, vector<1x1x16xf32>,
      %get3A_805 = vector.shape_cast %get3A_804 : vector<1x1x16xf32> to vector<16xf32>
      %get3A_806 = arith.constant 1 : i32
      %get3A_807 = arith.index_cast %get3A_806 : i32 to index
      %get3A_808 = arith.index_cast %scan3A_785 : i32 to index
      %get3A_809 = arith.constant 16 : index
      %get3A_810 = tpu.vector_load %arg9[%get3A_807, %get3A_808, %get3A_809] {strides = array<i32>} : memref<2x512x32xf32, #tpu.memory_space<vmem>>, vector<1x1x16xf32>,
      %get3A_811 = vector.shape_cast %get3A_810 : vector<1x1x16xf32> to vector<16xf32>
      %sub3A_812 = arith.subf %get3A_805, %get3A_811 : vector<16xf32>
      %mul3A_813 = arith.mulf %sub3A, %sub3A : vector<16xf32>
      %add3A_814 = arith.addf %scan3A_786, %mul3A_813 : vector<16xf32>
      %mul3A_815 = arith.mulf %sub3A_812, %sub3A_812 : vector<16xf32>
      %add3A_816 = arith.addf %scan3A_787, %mul3A_815 : vector<16xf32>
      scf.yield %add3A_814, %add3A_816 : vector<16xf32>, vector<16xf32>
    }
    %scan3A_734 = arith.constant 512 : i32
    %get3A_735 = arith.constant 0 : index
    %get3A_736 = tpu.vector_load %arg10[%get3A_735] {strides = array<i32>} : memref<16xf32, #tpu.memory_space<vmem>>, vector<16xf32>,
    %get3A_737 = vector.shape_cast %get3A_736 : vector<16xf32> to vector<16xf32>
    %add3A_738 = arith.addf %scan3A_733#0, %scan3A_733#1 : vector<16xf32>
    %add3A_739 = arith.addf %get3A_737, %add3A_738 : vector<16xf32>
    %swap3A_740 = arith.constant 0 : index
    %swap3A_741 = tpu.vector_load %arg10[%swap3A_740] {strides = array<i32>} : memref<16xf32, #tpu.memory_space<vmem>>, vector<16xf32>,
    %swap3A_742 = vector.shape_cast %swap3A_741 : vector<16xf32> to vector<16xf32>
    %swap3A_743 = vector.shape_cast %add3A_739 : vector<16xf32> to vector<16xf32>
    tpu.vector_store %arg10[%swap3A_740], %swap3A_743 {strides = array<i32>} : memref<16xf32, #tpu.memory_space<vmem>>, vector<16xf32>,
    %add3A_744 = arith.constant 1536 : i32
    %add3A_745 = arith.addi %mul3A_2, %add3A_744 : i32
    %dma_start3A_746 = arith.constant 1 : i32
    %dma_start3A_747 = arith.constant 0 : i32
    %dma_start3A_748 = arith.constant 0 : i32
    %dma_start3A_749 = tpu.memref_slice %arg8[%dma_start3A_746, %dma_start3A_747, %dma_start3A_748] : memref<2x512x32xf32, #tpu.memory_space<vmem>> -> memref<1x512x32xf32, #tpu.memory_space<vmem>>
    %dma_start3A_750 = tpu.memref_squeeze %dma_start3A_749 : memref<1x512x32xf32, #tpu.memory_space<vmem>> -> memref<512x32xf32, #tpu.memory_space<vmem>>
    %dma_start3A_751 = arith.constant 0 : i32
    %dma_start3A_752 = tpu.memref_slice %arg5[%add3A_745, %dma_start3A_751] : memref<65536x32xf32, #tpu.memory_space<hbm>> -> memref<512x32xf32, #tpu.memory_space<hbm>>
    %dma_start3A_753 = arith.constant 0 : i32
    %dma_start3A_754 = tpu.memref_slice %arg5[%add3A_745, %dma_start3A_753] : memref<65536x32xf32, #tpu.memory_space<hbm>> -> memref<512x32xf32, #tpu.memory_space<hbm>>
    %dma_start3A_755 = arith.constant 0 : i32
    %dma_start3A_756 = arith.constant 0 : i32
    %dma_start3A_757 = tpu.memref_slice %arg8[%dma_start3A_746, %dma_start3A_755, %dma_start3A_756] : memref<2x512x32xf32, #tpu.memory_space<vmem>> -> memref<1x512x32xf32, #tpu.memory_space<vmem>>
    %dma_start3A_758 = tpu.memref_squeeze %dma_start3A_757 : memref<1x512x32xf32, #tpu.memory_space<vmem>> -> memref<512x32xf32, #tpu.memory_space<vmem>>
    tpu.enqueue_dma source(%dma_start3A_758 : memref<512x32xf32, #tpu.memory_space<vmem>>) target(%dma_start3A_754 : memref<512x32xf32, #tpu.memory_space<hbm>>) target_semaphore(%arg13 : memref<!tpu.dma_semaphore, #tpu.memory_space<semaphore_mem>>)
    %dma_wait3A_759 = arith.constant 0 : i32
    %dma_wait3A_760 = arith.constant 0 : i32
    %dma_wait3A_761 = arith.constant 0 : i32
    %dma_wait3A_762 = tpu.memref_slice %arg8[%dma_wait3A_759, %dma_wait3A_760, %dma_wait3A_761] : memref<2x512x32xf32, #tpu.memory_space<vmem>> -> memref<1x512x32xf32, #tpu.memory_space<vmem>>
    %dma_wait3A_763 = tpu.memref_squeeze %dma_wait3A_762 : memref<1x512x32xf32, #tpu.memory_space<vmem>> -> memref<512x32xf32, #tpu.memory_space<vmem>>
    %dma_wait3A_764 = arith.constant 0 : i32
    %dma_wait3A_765 = tpu.memref_slice %arg5[%add3A_638, %dma_wait3A_764] : memref<65536x32xf32, #tpu.memory_space<hbm>> -> memref<512x32xf32, #tpu.memory_space<hbm>>
    %dma_wait3A_766 = arith.constant 0 : i32
    %dma_wait3A_767 = tpu.memref_slice %arg5[%add3A_638, %dma_wait3A_766] : memref<65536x32xf32, #tpu.memory_space<hbm>> -> memref<512x32xf32, #tpu.memory_space<hbm>>
    %dma_wait3A_768 = arith.constant 0 : i32
    %dma_wait3A_769 = arith.constant 0 : i32
    %dma_wait3A_770 = tpu.memref_slice %arg8[%dma_wait3A_759, %dma_wait3A_768, %dma_wait3A_769] : memref<2x512x32xf32, #tpu.memory_space<vmem>> -> memref<1x512x32xf32, #tpu.memory_space<vmem>>
    %dma_wait3A_771 = tpu.memref_squeeze %dma_wait3A_770 : memref<1x512x32xf32, #tpu.memory_space<vmem>> -> memref<512x32xf32, #tpu.memory_space<vmem>>
    tpu.wait_dma2 semaphore(%arg13 : memref<!tpu.dma_semaphore, #tpu.memory_space<semaphore_mem>>) src(%dma_wait3A_771 : memref<512x32xf32, #tpu.memory_space<vmem>>) dst(%dma_wait3A_767 : memref<512x32xf32, #tpu.memory_space<hbm>>)
    %dma_wait3A_772 = arith.constant 1 : i32
    %dma_wait3A_773 = arith.constant 0 : i32
    %dma_wait3A_774 = arith.constant 0 : i32
    %dma_wait3A_775 = tpu.memref_slice %arg8[%dma_wait3A_772, %dma_wait3A_773, %dma_wait3A_774] : memref<2x512x32xf32, #tpu.memory_space<vmem>> -> memref<1x512x32xf32, #tpu.memory_space<vmem>>
    %dma_wait3A_776 = tpu.memref_squeeze %dma_wait3A_775 : memref<1x512x32xf32, #tpu.memory_space<vmem>> -> memref<512x32xf32, #tpu.memory_space<vmem>>
    %dma_wait3A_777 = arith.constant 0 : i32
    %dma_wait3A_778 = tpu.memref_slice %arg5[%add3A_745, %dma_wait3A_777] : memref<65536x32xf32, #tpu.memory_space<hbm>> -> memref<512x32xf32, #tpu.memory_space<hbm>>
    %dma_wait3A_779 = arith.constant 0 : i32
    %dma_wait3A_780 = tpu.memref_slice %arg5[%add3A_745, %dma_wait3A_779] : memref<65536x32xf32, #tpu.memory_space<hbm>> -> memref<512x32xf32, #tpu.memory_space<hbm>>
    %dma_wait3A_781 = arith.constant 0 : i32
    %dma_wait3A_782 = arith.constant 0 : i32
    %dma_wait3A_783 = tpu.memref_slice %arg8[%dma_wait3A_772, %dma_wait3A_781, %dma_wait3A_782] : memref<2x512x32xf32, #tpu.memory_space<vmem>> -> memref<1x512x32xf32, #tpu.memory_space<vmem>>
    %dma_wait3A_784 = tpu.memref_squeeze %dma_wait3A_783 : memref<1x512x32xf32, #tpu.memory_space<vmem>> -> memref<512x32xf32, #tpu.memory_space<vmem>>
    tpu.wait_dma2 semaphore(%arg13 : memref<!tpu.dma_semaphore, #tpu.memory_space<semaphore_mem>>) src(%dma_wait3A_784 : memref<512x32xf32, #tpu.memory_space<vmem>>) dst(%dma_wait3A_780 : memref<512x32xf32, #tpu.memory_space<hbm>>)
    "tpu.region"() ({
      %run_scoped3A = tpu.sem_alloc : memref<!tpu.dma_semaphore, #tpu.memory_space<semaphore_mem>>
      %dma_start3A_785 = arith.constant 0 : i32
      %dma_start3A_786 = tpu.memref_slice %arg6[%add3A, %dma_start3A_785] : memref<32x16xf32, #tpu.memory_space<hbm>> -> memref<1x16xf32, #tpu.memory_space<hbm>>
      %dma_start3A_787 = tpu.memref_squeeze %dma_start3A_786 : memref<1x16xf32, #tpu.memory_space<hbm>> -> memref<16xf32, #tpu.memory_space<hbm>>
      %dma_start3A_788 = arith.constant 0 : i32
      %dma_start3A_789 = tpu.memref_slice %arg6[%add3A, %dma_start3A_788] : memref<32x16xf32, #tpu.memory_space<hbm>> -> memref<1x16xf32, #tpu.memory_space<hbm>>
      %dma_start3A_790 = tpu.memref_squeeze %dma_start3A_789 : memref<1x16xf32, #tpu.memory_space<hbm>> -> memref<16xf32, #tpu.memory_space<hbm>>
      tpu.enqueue_dma source(%arg10 : memref<16xf32, #tpu.memory_space<vmem>>) target(%dma_start3A_790 : memref<16xf32, #tpu.memory_space<hbm>>) target_semaphore(%run_scoped3A : memref<!tpu.dma_semaphore, #tpu.memory_space<semaphore_mem>>)
      %dma_wait3A_791 = arith.constant 0 : i32
      %dma_wait3A_792 = tpu.memref_slice %arg6[%add3A, %dma_wait3A_791] : memref<32x16xf32, #tpu.memory_space<hbm>> -> memref<1x16xf32, #tpu.memory_space<hbm>>
      %dma_wait3A_793 = tpu.memref_squeeze %dma_wait3A_792 : memref<1x16xf32, #tpu.memory_space<hbm>> -> memref<16xf32, #tpu.memory_space<hbm>>
      %dma_wait3A_794 = arith.constant 0 : i32
      %dma_wait3A_795 = tpu.memref_slice %arg6[%add3A, %dma_wait3A_794] : memref<32x16xf32, #tpu.memory_space<hbm>> -> memref<1x16xf32, #tpu.memory_space<hbm>>
      %dma_wait3A_796 = tpu.memref_squeeze %dma_wait3A_795 : memref<1x16xf32, #tpu.memory_space<hbm>> -> memref<16xf32, #tpu.memory_space<hbm>>
      tpu.wait_dma2 semaphore(%run_scoped3A : memref<!tpu.dma_semaphore, #tpu.memory_space<semaphore_mem>>) src(%arg10 : memref<16xf32, #tpu.memory_space<vmem>>) dst(%dma_wait3A_796 : memref<16xf32, #tpu.memory_space<hbm>>)
      tpu.yield
    }) : () -> ()
    return
  }
}

module attributes {stable_mosaic.version = 14 : i64} {
  func.func @body(%arg0: memref<32x16xf32, #tpu.memory_space<vmem>>, %arg1: memref<1x1xf32, #tpu.memory_space<vmem>>) attributes {dimension_semantics = [], scalar_prefetch = 0 : i64, scratch_operands = 0 : i64, tpu.core_type = #tpu.core_type<tc>} {
    %get3A = arith.constant 0 : index
    %get3A_0 = arith.constant 0 : index
    %get3A_1 = vector.load %arg0[%get3A, %get3A_0] : memref<32x16xf32, #tpu.memory_space<vmem>>, vector<32x16xf32>
    %reduce_sum3A = vector.shape_cast %get3A_1 : vector<32x16xf32> to vector<1x32x16xf32>
    %reduce_sum3A_2 = arith.constant dense<0.000000e+00> : vector<1xf32>
    %reduce_sum3A_3 = vector.multi_reduction <add>, %reduce_sum3A, %reduce_sum3A_2 [1, 2] : vector<1x32x16xf32> to vector<1xf32>
    %reduce_sum3A_4 = vector.shape_cast %reduce_sum3A_3 : vector<1xf32> to vector<1x1x1xf32>
    %reduce_sum3A_5 = vector.extract %reduce_sum3A_4[0, 0, 0] : f32 from vector<1x1x1xf32>
    %div3A = arith.constant 0x4A000000 : f32
    %div3A_6 = arith.divf %reduce_sum3A_5, %div3A : f32
    %mul3A = arith.constant 2.500000e-01 : f32
    %mul3A_7 = arith.mulf %mul3A, %div3A_6 : f32
    %add3A = arith.addf %div3A_6, %mul3A_7 : f32
    %reshape3A = vector.broadcast %add3A : f32 to vector<1x1xf32>
    %swap3A = arith.constant 0 : index
    %swap3A_8 = arith.constant 0 : index
    %swap3A_9 = vector.load %arg1[%swap3A, %swap3A_8] : memref<1x1xf32, #tpu.memory_space<vmem>>, vector<1x1xf32>
    tpu.vector_store %arg1[%swap3A, %swap3A_8], %reshape3A {strides = array<i32>} : memref<1x1xf32, #tpu.memory_space<vmem>>, vector<1x1xf32>,
    return
  }
}

</mosaic_0001>

<sc_bundles>
// kernel: kernel.4.cloned.1.call-start
scs
__scs_entry_jumppad:
0x0: {  	(pc) =	sbr.rel $0x88, $3  }
0x1: {  	(tag) =	ssettag $0x0;
	lr =	simm.s32 $0x1  }
0x2: {  	[smem:$0x3F9F] =	sst lr;
	_ =	strace $0xD0000000  }
0x3: {  	_ = 	snop  }
0x4: {  	_ = 	snop  }
0x5: {  	_ = 	snop  }
0x6: {  	_ = 	snop  }
0x7: {  	_ = 	snop  }
__scs_overlays_trampoline_lowered:
0x8: {  	[smem:$0x3FAE] =	sst s0  }
0x9: {  	[smem:$0x3FAF] =	sst s1  }
0xa: {  	[smem:$0x3FB0] =	sst s2  }
0xb: {  	[smem:$0x3FB1] =	sst s3  }
0xc: {  	[smem:$0x3FB2] =	sst s4  }
0xd: {  	[smem:$0x3FB3] =	sst s5  }
0xe: {  	[smem:$0x3FB4] =	sst s6  }
0xf: {  	[smem:$0x3FB5] =	sst s7  }
0x10: {  	[smem:$0x3FB6] =	sst s8  }
0x11: {  	[smem:$0x3FB7] =	sst s9;
	s0 =	simm.s32 @!p0 $0x0  }
0x12: {  	s1 =	sld [smem:$0x3F9D];
	s0 =	simm.s32 @p0 $0x1  }
0x13: {  	[smem:$0x3FB8] =	sst s0;
	s0 =	simm.s32 @!p1 $0x0  }
0x14: {  	s2 =	sld [smem:$0x3F9C];
	s0 =	simm.s32 @p1 $0x1  }
0x15: {  	[smem:$0x3FB9] =	sst s0;
	s0 =	simm.s32 @!p2 $0x0  }
0x16: {  	s3 =	sld [smem:$0x3FDB];
	s0 =	simm.s32 @p2 $0x1  }
0x17: {  	s4 =	simm.s32 $0x1BF5;
	[smem:$0x3FBB] =	sst s0  }
0x18: {  	s0 =	sld [smem:$0x3F9E];
	_ =	swait.ge [sflag:s4], $0x0  }
0x19: {  	s7 =	sld [smem:$0x3F9F]  }
0x1a: {  	s8 =	sadd.s32 $0xFFFFE003, lr  }
0x1b: {  	s9 =	sadd.s32 $0xFFFFFEF7, lr;
	s5 =	simm.s32 $0xFFFFFFFF;
	p2 =	slt.u32 s8, $0xFFFFF086  }
0x1c: {  	p1 =	slt.u32 s9, $0xF7A;
	s5 =	simm.s32 @!p2 $0x0  }
0x1d: {  	s5 =	simm.s32 @p1 $0x1;
	p0 =	seq.s32 s7, s2  }
0x1e: {  	s7 =	smul.u32 @!p0 $0xF7A, s2;
	p2 =	seq.s32 @!p0 s5, $0x0  }
0x1f: {  	s9 =	smul.u32 $0xF7A, s1;
	s8 =	simm.s32 @!p0 $0x1BF5;
	p2 =	por !p2, p0  }
0x20: {  	[sflag:s8] =	ssyncset.s32 @!p0 $0xFFFFF086;
	s6 =	sadd.s32 @!p0 s3, s7;
	s7 =	simm.s32 @!p0 $0x108  }
0x21: {  	s3 =	sadd.s32 s3, s9;
	s6 =	sadd.s32 @!p0 $0x88, s6;
	s7 =	simm.s32 @p2 $0x1082  }
0x22: {  	[simem:s7], [sflag:s8] =	dma.local @!p0 [hbm:s6], $0xF7A  }
0x23: {  	s9 =	sor.u32 $0xD0000000, s2;
	s6 =	simm.s32 $0x108;
	_ =	swait.ge @!p0 [sflag:s8], $0x0  }
0x24: {  	s3 =	sadd.s32 $0x88, s3;
	s6 =	simm.s32 @!p1 $0x1082;
	[sflag:s4] =	ssyncset.s32 $0xFFFFF086  }
0x25: {  	[simem:s6], [sflag:s4] =	dma.local [hbm:s3], $0xF7A  }
0x26: {  	[smem:$0x3F9F] =	sst s1;
	(tag) =	ssettag s2;
	_ =	strace s9  }
0x27: {  	s1 =	sld [smem:$0x3FAF]  }
0x28: {  	s2 =	sld [smem:$0x3FB0]  }
0x29: {  	s4 =	sld [smem:$0x3FB2]  }
0x2a: {  	p0 =	seq.s32 s5, $0x0;
	s5 =	sld [smem:$0x3FB3]  }
0x2b: {  	s6 =	sld [smem:$0x3FB4]  }
0x2c: {  	s7 =	sld [smem:$0x3FB5]  }
0x2d: {  	s3 =	simm.s32 $0x108;
	s8 =	sld [smem:$0x3FB6]  }
0x2e: {  	s3 =	simm.s32 @!p0 $0x1082;
	s9 =	sld [smem:$0x3FB7]  }
0x2f: {  	lr =	sadd.s32 s0, s3;
	s0 =	sld [smem:$0x3FAE]  }
0x30: {  	s3 =	sld [smem:$0x3FB1]  }
0x31: {  	[smem:$0x3FBA] =	sst s10  }
0x32: {  	s10 =	sld [smem:$0x3FB8];
	_ =	sdelay $0x3  }
0x33: {  	p0 =	seq.s32 s10, $0x1;
	s10 =	sld [smem:$0x3FBA];
	_ =	sdelay $0x3  }
0x34: {  	[smem:$0x3FBA] =	sst s10  }
0x35: {  	s10 =	sld [smem:$0x3FB9];
	_ =	sdelay $0x3  }
0x36: {  	p1 =	seq.s32 s10, $0x1;
	s10 =	sld [smem:$0x3FBA];
	_ =	sdelay $0x3  }
0x37: {  	[smem:$0x3FBA] =	sst s10  }
0x38: {  	s10 =	sld [smem:$0x3FBB]  }
0x39: {  	_ = 	snop;
	(pc) =	sbr.ind lr, $3  }
0x3a: {  	_ = 	snop  }
0x3b: {  	_ = 	snop  }
0x3c: {  	p2 =	seq.s32 s10, $0x1;
	s10 =	sld [smem:$0x3FBA]  }
0x3d: {  	_ =	shalt  }
0x3e: {  	_ =	shalt  }
0x3f: {  	_ =	shalt  }
0x40: {  	_ =	shalt  }
0x41: {  	_ =	shalt  }
0x42: {  	_ =	shalt  }
0x43: {  	_ =	shalt  }
0x44: {  	_ =	shalt  }
0x45: {  	_ =	shalt  }
0x46: {  	_ =	shalt  }
0x47: {  	_ =	shalt  }
0x48: {  	_ =	shalt  }
0x49: {  	_ =	shalt  }
0x4a: {  	_ =	shalt  }
0x4b: {  	_ =	shalt  }
0x4c: {  	_ =	shalt  }
0x4d: {  	_ =	shalt  }
0x4e: {  	_ =	shalt  }
0x4f: {  	_ =	shalt  }
0x50: {  	_ =	shalt  }
0x51: {  	_ =	shalt  }
0x52: {  	_ =	shalt  }
0x53: {  	_ =	shalt  }
0x54: {  	_ =	shalt  }
0x55: {  	_ =	shalt  }
0x56: {  	_ =	shalt  }
0x57: {  	_ =	shalt  }
0x58: {  	_ =	shalt  }
0x59: {  	_ =	shalt  }
0x5a: {  	_ =	shalt  }
0x5b: {  	_ =	shalt  }
0x5c: {  	_ =	shalt  }
0x5d: {  	_ =	shalt  }
0x5e: {  	_ =	shalt  }
0x5f: {  	_ =	shalt  }
0x60: {  	_ =	shalt  }
0x61: {  	_ =	shalt  }
0x62: {  	_ =	shalt  }
0x63: {  	_ =	shalt  }
0x64: {  	_ =	shalt  }
0x65: {  	_ =	shalt  }
0x66: {  	_ =	shalt  }
0x67: {  	_ =	shalt  }
0x68: {  	_ =	shalt  }
0x69: {  	_ =	shalt  }
0x6a: {  	_ =	shalt  }
0x6b: {  	_ =	shalt  }
0x6c: {  	_ =	shalt  }
0x6d: {  	_ =	shalt  }
0x6e: {  	_ =	shalt  }
0x6f: {  	_ =	shalt  }
0x70: {  	_ =	shalt  }
0x71: {  	_ =	shalt  }
0x72: {  	_ =	shalt  }
0x73: {  	_ =	shalt  }
0x74: {  	_ =	shalt  }
0x75: {  	_ =	shalt  }
0x76: {  	_ =	shalt  }
0x77: {  	_ =	shalt  }
0x78: {  	_ =	shalt  }
0x79: {  	_ =	shalt  }
0x7a: {  	_ =	shalt  }
0x7b: {  	_ =	shalt  }
0x7c: {  	_ =	shalt  }
0x7d: {  	_ =	shalt  }
0x7e: {  	_ =	shalt  }
0x7f: {  	_ =	shalt  }
0x80: {  	_ =	shalt  }
0x81: {  	_ =	shalt  }
0x82: {  	_ =	shalt  }
0x83: {  	_ =	shalt  }
0x84: {  	_ =	shalt  }
0x85: {  	_ =	shalt  }
0x86: {  	_ =	shalt  }
0x87: {  	_ =	shalt  }
.Lfunc_end0:
.L_simem_size_0:
called_computation_lowered:
.L_overlay_start_0:
0x88: {  	s2 =	sld [smem:$0x3FD9]  }
0x89: {  	s3 =	sld [smem:$0x3FFE];
	_ =	sdelay $0x1  }
0x8a: {  	s1 =	srdreg.scid  }
0x8b: {  	s0 =	sand.u32 $0x1, s1  }
0x8c: {  	s14 =	sshll.u32 s0, $0xA;
	s2 =	sadd.s32 s3, s2  }
0x8d: {  	s2 =	sadd.s32 s2, s14  }
0x8e: {  	[smem:$0x3FC6] =	sst s2  }
0x8f: {  	_ = 	snop  }
0x90: {  	s2 =	sld [smem:$0x3FD0];
	_ =	sdelay $0x2  }
0x91: {  	s15 =	simm.s32 $0xA;
	s4 =	simm.s32 $0x10  }
0x92: {  	[smem:s4], [sflag:s15] =	dma.local [hbm:s2], $0x1  }
0x93: {  	_ =	swait.eq [sflag:s15], $0x1  }
0x94: {  	[sflag:s15] =	ssyncset.done $0x0  }
0x95: {  	[sflag:s15] =	ssyncadd.s32 $0xFFFFFFFF  }
0x96: {  	s16 =	sld [smem:$0x10];
	(tm) =	ssettm $0x1  }
0x97: {  	s17 =	sld [smem:$0x3FFB];
	_ =	sdelay $0x3  }
0x98: {  	_ =	strace s17  }
0x99: {  	s3 =	sld [smem:$0x3FFC];
	_ =	sdelay $0x3  }
0x9a: {  	_ =	strace s3  }
0x9b: {  	s3 =	sld [smem:$0x3FFD];
	_ =	sdelay $0x3  }
0x9c: {  	_ =	strace s3  }
0x9d: {  	_ =	strace $0x8FFFFFFF  }
0x9e: {  	s18 =	sld [smem:$0x3FDB];
	_ =	sdelay $0x1  }
0x9f: {  	s19 =	simm.s32 $_scs_section_size  }
0xa0: {  	s5 =	simm.s32 $_size__tile_overlayer_lowered;
	s6 =	simm.s32 $_tile_overlayer_lowered  }
0xa1: {  	s22 =	simm.s32 $0x1BFF;
	s21 =	sshll.u32 s6, $0x1;
	s3 =	sadd.s32 s19, s18  }
0xa2: {  	s7 =	simm.s32 $0x0;
	s20 =	sshll.u32 s5, $0x1;
	s5 =	sadd.s32 s21, s3  }
0xa3: {  	[timem:s7], [sflag:s22] =	dma.local [hbm:s5], s20  }
0xa4: {  	_ =	swait.ge [sflag:s22], s20  }
0xa5: {  	s4 =	ssub.s32 $0x0, s20;
	[sflag:s22] =	ssyncset.done $0x0  }
0xa6: {  	[sflag:s22] =	ssyncadd.s32 s4;
	_ =	sdelay $0x1  }
0xa7: {  	s23 =	simm.s32 $0x1B8B  }
0xa8: {  	_ =	swait.ge [sflag:s23], $0x1  }
0xa9: {  	[sflag:s23] =	ssyncset.done $0x0  }
0xaa: {  	s25 =	simm.s32 $0x1B8E;
	s24 =	sld [smem:$0x3FFE];
	[sflag:s23] =	ssyncadd.s32 $0xFFFFFFFF  }
0xab: {  	s26 =	simm.s32 $execute0_lowered;
	[smem:$0x3FD2] =	sst s25  }
0xac: {  	s5 =	sshll.u32 s26, $0x1;
	_ =	strace $0x80000046;
	[dreg:$0x1] =	wrdreg $0xFFFFFFFF  }
0xad: {  	s28 =	simm.s32 $_size_execute0_lowered;
	s3 =	sadd.s32 s3, s5;
	[dreg:$0x0] =	wrdreg $0x0  }
0xae: {  	s5 =	sshll.u32 s28, $0x1;
	[dreg:$0x2] =	wrdreg s3  }
0xaf: {  	[dreg:$0x3] =	wrdreg s5  }
0xb0: {  	[dreg:$0x4] =	wrdreg $0xC0  }
0xb1: {  	_ =	task [dreg:s7], $0x5FFFF  }
0xb2: {  	[dreg:$0x1] =	wrdreg $0xFFFFFFFF  }
0xb3: {  	[dreg:$0x0] =	wrdreg $0x60  }
0xb4: {  	[dreg:$0x2] =	wrdreg s24  }
0xb5: {  	[dreg:$0x3] =	wrdreg s16  }
0xb6: {  	[dreg:$0x4] =	wrdreg $0x9  }
0xb7: {  	_ =	task.clear_ibuf [dreg:s7], $0x5FFFF;
	_ =	strace $0x90000046  }
0xb8: {  	s29 =	simm.s32 $0x9;
	_ =	strace $0x80000048  }
0xb9: {  	_ =	swait.ge [sflag:s29], $0x1  }
0xba: {  	[sflag:s29] =	ssyncadd.s32 $0xFFFFFFFF  }
0xbb: {  	_ =	strace $0x90000048  }
0xbc: {  	_ =	sfence  }
0xbd: {  	s30 =	sld [smem:$0x0];
	_ =	sdelay $0x2  }
0xbe: {  	s31 =	sshll.u32 s1, $0xD;
	s1 =	sshrl.u32 s1, $0x2  }
0xbf: {  	s3 =	sand.u32 $0x4000, s31;
	s1 =	sadd.s32 s1, s30  }
0xc0: {  	s0 =	sor.u32 s3, s0;
	s1 =	sshll.u32 s1, $0x11  }
0xc1: {  	s0 =	sor.u32 s1, s0  }
0xc2: {  	s0 =	sadd.s32 $0x8F2B, s0  }
0xc3: {  	[sflag:s0] =	ssyncadd.remote.s32 $0x1  }
0xc4: {  	_ =	sfence.sel $0xFFFF  }
0xc5: {  	[dreg:$0x0] =	wrdreg $0xFFFFFFFF;
	(pc) =	sbr.abs _section_cstart, $3  }
0xc6: {  	[dreg:$0x1] =	wrdreg $0xFFFFFFFF  }
0xc7: {  	_ =	task.clear_ibuf [dreg:s7], $0x2FFFF;
	_ =	strace $0x9FFFFFFF  }
0xc8: {  	(tm) =	ssettm $0x7FFFFFFF  }
0xc9: {  	_ =	shalt  }
tec
execute0_lowered:
.L_overlay_start_1:
0x0: {  	(tag) =	ssettag $0x1  }
0x1: {  	s0 =	rddreg [dreg:$0x0];
	s1 =	srdreg.scid  }
0x2: {  	s2 =	stileid.u32;
	s10 =	rddreg [dreg:$0x1]  }
0x3: {  	s15 =	simm.s32 $0x4;
	s16 =	simm.s32 $0x80;
	s17 =	simm.s32 $0x800  }
0x4: {  	s18 =	simm.s32 $0x1800;
	s20 =	simm.s32 $0x2800;
	s22 =	simm.s32 $0x3800  }
0x5: {  	s23 =	simm.s32 $0x8800;
	s25 =	simm.s32 $0x4800;
	s28 =	simm.s32 $0x5800  }
0x6: {  	s30 =	simm.s32 $0x6800;
	s19 =	simm.s32 $0x1;
	s21 =	simm.s32 $0x2  }
0x7: {  	s24 =	simm.s32 $0x3;
	s1 =	sand.u32 $0x1, s1;
	s3 =	sshll.u32 s2, $0x1  }
0x8: {  	s26 =	simm.s32 $0x0;
	s2 =	simm.s32 $0x0;
	s4 =	sor.u32 s1, s3  }
0x9: {  	[smem:$0x7FF] =	sst s2;
	s1 =	ssub.s32 $0x2, s1;
	s3 =	sshll.u32 s4, $0x8  }
0xa: {  	_ =	strace $0x80000047;
	s6 =	sshll.u32 s4, $0x1;
	s7 =	sshrl.u32 s1, $0x1  }
0xb: {  	s11 =	sshll.u32 s4, $0xD;
	s5 =	sadd.s32 s3, s0;
	s3 =	sadd.s32 $0x100000, s0  }
0xc: {  	s13 =	sadd.s32 s6, s0;
	s1 =	ssub.s32 s1, s7;
	s9 =	sor.u32 $0x800, s11  }
0xd: {  	s7 =	sadd.s32 s0, s11;
	s12 =	sor.u32 $0x1000, s11;
	s14 =	sor.u32 $0x1800, s11  }
0xe: {  	s4 =	sadd.s32 $0x108000, s5;
	s5 =	sadd.s32 s10, s11;
	s6 =	sadd.s32 s10, s9  }
0xf: {  	s8 =	sadd.s32 s10, s12;
	s9 =	sadd.s32 s0, s9;
	s10 =	sadd.s32 s10, s14  }
0x10: {  	s11 =	sadd.s32 s0, s12;
	s12 =	sadd.s32 s0, s14;
	s13 =	sadd.s32 $0x40000, s13  }
0x11: {  	s14 =	smax.u32 s1, $0x1;
	s1 =	simm.s32 $0x7800;
	s0 =	simm.s32 $0xC800  }
.LBB2_1:
0x12: {  	[tilespmem:s2], [sflag:$0x4] =	stream.linear.gather [hbm4b:s4+s2], $0x800, $0x38;
	[tilespmem:$0x10810] =	vst v63  }
0x13: {  	_ =	swait.ge [sflag:s15], $0x800  }
0x14: {  	[sflag:s15] =	ssyncset.done $0x0  }
0x15: {  	v0 =	vimm.f32 $0.0e+00;
	[sflag:s15] =	ssyncadd.s32 $0xFFFFF800  }
0x16: {  	[tilespmem:$0x10800] =	vst v0  }
0x17: {  	[tilespmem:s17], [sflag:$0x1] =	stream.indirect.gather [hbm4b:s3+s16], $0x20, s2, s16, $0xb8;
	[tilespmem:$0x10810] =	vst v63  }
0x18: {  	_ = 	snop  }
0x19: {  	[tilespmem:s18], [sflag:$0x1] =	stream.indirect.gather [hbm4b:s3+s16], $0x20, s16, s16, $0xb8;
	[tilespmem:$0x10810] =	vst v63  }
0x1a: {  	s29 =	simm.s32 $0x100  }
0x1b: {  	[tilespmem:s20], [sflag:$0x1] =	stream.indirect.gather [hbm4b:s3+s16], $0x20, s29, s16, $0xb8;
	[tilespmem:$0x10810] =	vst v63  }
0x1c: {  	s29 =	simm.s32 $0x180  }
0x1d: {  	[tilespmem:s22], [sflag:$0x1] =	stream.indirect.gather [hbm4b:s3+s16], $0x20, s29, s16, $0xb8;
	[tilespmem:$0x10810] =	vst v63  }
0x1e: {  	_ = 	snop  }
0x1f: {  	[tilespmem:s23], [sflag:$0x2] =	stream.linear.gather [hbm4b:s5+s2], $0x4000, $0x38;
	[tilespmem:$0x10810] =	vst v63  }
0x20: {  	s29 =	simm.s32 $0x200  }
0x21: {  	[tilespmem:s25], [sflag:$0x1] =	stream.indirect.gather [hbm4b:s3+s16], $0x20, s29, s16, $0xb8;
	[tilespmem:$0x10810] =	vst v63  }
0x22: {  	s29 =	simm.s32 $0x280  }
0x23: {  	[tilespmem:s28], [sflag:$0x1] =	stream.indirect.gather [hbm4b:s3+s16], $0x20, s29, s16, $0xb8;
	[tilespmem:$0x10810] =	vst v63  }
0x24: {  	s29 =	simm.s32 $0x300  }
0x25: {  	[tilespmem:s30], [sflag:$0x1] =	stream.indirect.gather [hbm4b:s3+s16], $0x20, s29, s16, $0xb8;
	[tilespmem:$0x10810] =	vst v63  }
0x26: {  	s29 =	simm.s32 $0x380  }
0x27: {  	[tilespmem:s1], [sflag:$0x1] =	stream.indirect.gather [hbm4b:s3+s16], $0x20, s29, s16, $0xb8;
	[tilespmem:$0x10810] =	vst v63  }
0x28: {  	_ = 	snop  }
0x29: {  	[tilespmem:s0], [sflag:$0x2] =	stream.linear.gather [hbm4b:s6+s2], $0x4000, $0x38;
	[tilespmem:$0x10810] =	vst v63  }
0x2a: {  	_ =	swait.ge [sflag:s19], $0x1000  }
0x2b: {  	[sflag:s19] =	ssyncset.done $0x0  }
0x2c: {  	[sflag:s19] =	ssyncadd.s32 $0xFFFFF000  }
0x2d: {  	_ =	swait.ge [sflag:s19], $0x1000  }
0x2e: {  	[sflag:s19] =	ssyncset.done $0x0  }
0x2f: {  	[sflag:s19] =	ssyncadd.s32 $0xFFFFF000  }
0x30: {  	_ =	swait.ge [sflag:s19], $0x1000  }
0x31: {  	[sflag:s19] =	ssyncset.done $0x0  }
0x32: {  	[sflag:s19] =	ssyncadd.s32 $0xFFFFF000  }
0x33: {  	_ =	swait.ge [sflag:s19], $0x1000  }
0x34: {  	[sflag:s19] =	ssyncset.done $0x0  }
0x35: {  	[sflag:s19] =	ssyncadd.s32 $0xFFFFF000  }
0x36: {  	_ =	swait.ge [sflag:s21], $0x4000  }
0x37: {  	[sflag:s21] =	ssyncset.done $0x0  }
0x38: {  	s29 =	simm.s32 $0x0;
	[sflag:s21] =	ssyncadd.s32 $0xFFFFC000  }
0x39: {  	v1 =	vld [tilespmem:s29+$0x810]  }
0x3a: {  	v2 =	vld [tilespmem:s29+$0x8810]  }
0x3b: {  	v3 =	vld [tilespmem:s29+$0x800]  }
0x3c: {  	v5 =	vld [tilespmem:s29+$0x8800];
	_ =	sdelay $0x1  }
0x3d: {  	s29 =	simm.s32 $0x20  }
0x3e: {  	v4 =	vld [tilespmem:s29+$0x8810];
	v2 =	vsub.f32 v1, v2  }
0x3f: {  	v1 =	vld [tilespmem:s29+$0x810]  }
0x40: {  	v6 =	vsub.f32 v3, v5;
	v3 =	vld [tilespmem:s29+$0x800];
	v2 =	vmul.f32 v2, v2  }
0x41: {  	v5 =	vld [tilespmem:s29+$0x8800]  }
0x42: {  	s29 =	simm.s32 $0x100;
	v6 =	vmul.f32 v6, v6;
	v2 =	vadd.f32 v2, v0  }
.LBB2_2:
0x43: {  	s31 =	sshra.s32 s29, $0x2;
	p0 =	sne.s32 s29, $0xFF80  }
.Ltmp0:
0x44: {  	s29 =	sadd.s32 $0x80, s29;
	v7 =	vsub.f32 v1, v4;
	v1 =	vld [tilespmem:s31+$0x810];
	v0 =	vadd.f32 v6, v0;
	(pc) =	sbr.rel @p0 .LBB2_2-.Ltmp0, $4  }
0x45: {  	v4 =	vld [tilespmem:s31+$0x8810]  }
0x46: {  	v6 =	vsub.f32 v3, v5;
	v3 =	vld [tilespmem:s31+$0x800];
	v7 =	vmul.f32 v7, v7  }
0x47: {  	v5 =	vld [tilespmem:s31+$0x8800]  }
0x48: {  	v6 =	vmul.f32 v6, v6;
	v2 =	vadd.f32 v7, v2  }
0x49: {  	_ =	sdelay $0x2  }
0x4a: {  	v1 =	vsub.f32 v1, v4;
	v3 =	vsub.f32 v3, v5;
	_ =	sdelay $0x1  }
0x4b: {  	v0 =	vadd.f32 v6, v0;
	v1 =	vmul.f32 v1, v1;
	v3 =	vmul.f32 v3, v3  }
0x4c: {  	v4 =	vld [tilespmem:$0x10800]  }
0x4d: {  	v1 =	vadd.f32 v1, v2;
	v0 =	vadd.f32 v3, v0;
	_ =	sdelay $0x1  }
0x4e: {  	v0 =	vadd.f32 v1, v0;
	_ =	sdelay $0x1  }
0x4f: {  	v0 =	vadd.f32 v4, v0;
	_ =	sdelay $0x1  }
0x50: {  	[tilespmem:$0x10800] =	vst v0  }
0x51: {  	[hbm4b:s7+s2] =	stream.linear.scatter [tilespmem:s17], [sflag:$0x3], $0x4000, $0x38;
	[tilespmem:$0x10810] =	vst v63  }
0x52: {  	_ =	swait.ge [sflag:s24], $0x4000  }
0x53: {  	[sflag:s24] =	ssyncset.done $0x0  }
0x54: {  	s29 =	simm.s32 $0x400;
	[sflag:s24] =	ssyncadd.s32 $0xFFFFC000  }
0x55: {  	[tilespmem:s17], [sflag:$0x1] =	stream.indirect.gather [hbm4b:s3+s16], $0x20, s29, s16, $0xb8;
	[tilespmem:$0x10810] =	vst v63  }
0x56: {  	s29 =	simm.s32 $0x480  }
0x57: {  	[tilespmem:s18], [sflag:$0x1] =	stream.indirect.gather [hbm4b:s3+s16], $0x20, s29, s16, $0xb8;
	[tilespmem:$0x10810] =	vst v63  }
0x58: {  	s29 =	simm.s32 $0x500  }
0x59: {  	[tilespmem:s20], [sflag:$0x1] =	stream.indirect.gather [hbm4b:s3+s16], $0x20, s29, s16, $0xb8;
	[tilespmem:$0x10810] =	vst v63  }
0x5a: {  	s29 =	simm.s32 $0x580  }
0x5b: {  	[tilespmem:s22], [sflag:$0x1] =	stream.indirect.gather [hbm4b:s3+s16], $0x20, s29, s16, $0xb8;
	[tilespmem:$0x10810] =	vst v63  }
0x5c: {  	_ = 	snop  }
0x5d: {  	[tilespmem:s23], [sflag:$0x2] =	stream.linear.gather [hbm4b:s8+s2], $0x4000, $0x38;
	[tilespmem:$0x10810] =	vst v63  }
0x5e: {  	_ =	swait.ge [sflag:s19], $0x1000  }
0x5f: {  	[sflag:s19] =	ssyncset.done $0x0  }
0x60: {  	[sflag:s19] =	ssyncadd.s32 $0xFFFFF000  }
0x61: {  	_ =	swait.ge [sflag:s19], $0x1000  }
0x62: {  	[sflag:s19] =	ssyncset.done $0x0  }
0x63: {  	[sflag:s19] =	ssyncadd.s32 $0xFFFFF000  }
0x64: {  	_ =	swait.ge [sflag:s19], $0x1000  }
0x65: {  	[sflag:s19] =	ssyncset.done $0x0  }
0x66: {  	[sflag:s19] =	ssyncadd.s32 $0xFFFFF000  }
0x67: {  	_ =	swait.ge [sflag:s19], $0x1000  }
0x68: {  	[sflag:s19] =	ssyncset.done $0x0  }
0x69: {  	[sflag:s19] =	ssyncadd.s32 $0xFFFFF000  }
0x6a: {  	_ =	swait.ge [sflag:s21], $0x4000  }
0x6b: {  	[sflag:s21] =	ssyncset.done $0x0  }
0x6c: {  	s29 =	simm.s32 $0xFFFFC000;
	[sflag:s21] =	ssyncadd.s32 $0xFFFFC000  }
0x6d: {  	v0 =	vld [tilespmem:s29+$0x8810]  }
0x6e: {  	v1 =	vld [tilespmem:s29+$0x10810]  }
0x6f: {  	v2 =	vld [tilespmem:s29+$0x8800]  }
0x70: {  	v4 =	vld [tilespmem:s29+$0x10800];
	_ =	sdelay $0x1  }
0x71: {  	s31 =	simm.s32 $0xFFFFC020  }
0x72: {  	v3 =	vld [tilespmem:s31+$0x10810];
	v1 =	vsub.f32 v0, v1  }
0x73: {  	v0 =	vld [tilespmem:s31+$0x8810]  }
0x74: {  	v5 =	vld [tilespmem:s31+$0x10800];
	v2 =	vsub.f32 v2, v4;
	v7 =	vmul.f32 v1, v1  }
0x75: {  	v4 =	vld [tilespmem:s31+$0x8800];
	v1 =	vimm.f32 $0.0e+00  }
0x76: {  	s29 =	simm.s32 $0xFFFF0100;
	v6 =	vmul.f32 v2, v2;
	v2 =	vadd.f32 v7, v1  }
.LBB2_4:
0x77: {  	s31 =	sshra.s32 s29, $0x2;
	p0 =	sne.s32 s29, $0xFFFFFF80  }
.Ltmp1:
0x78: {  	s29 =	sadd.s32 $0x80, s29;
	v7 =	vsub.f32 v0, v3;
	v0 =	vld [tilespmem:s31+$0x8810];
	v1 =	vadd.f32 v6, v1;
	(pc) =	sbr.rel @p0 .LBB2_4-.Ltmp1, $4  }
0x79: {  	v3 =	vld [tilespmem:s31+$0x10810]  }
0x7a: {  	v6 =	vsub.f32 v4, v5;
	v4 =	vld [tilespmem:s31+$0x8800];
	v7 =	vmul.f32 v7, v7  }
0x7b: {  	v5 =	vld [tilespmem:s31+$0x10800]  }
0x7c: {  	v6 =	vmul.f32 v6, v6;
	v2 =	vadd.f32 v7, v2  }
0x7d: {  	_ =	sdelay $0x2  }
0x7e: {  	v0 =	vsub.f32 v0, v3;
	v3 =	vsub.f32 v4, v5;
	_ =	sdelay $0x1  }
0x7f: {  	v1 =	vadd.f32 v6, v1;
	v0 =	vmul.f32 v0, v0;
	v3 =	vmul.f32 v3, v3  }
0x80: {  	v4 =	vld [tilespmem:$0x10800]  }
0x81: {  	v0 =	vadd.f32 v0, v2;
	v1 =	vadd.f32 v3, v1;
	_ =	sdelay $0x1  }
0x82: {  	v0 =	vadd.f32 v0, v1;
	_ =	sdelay $0x1  }
0x83: {  	v0 =	vadd.f32 v4, v0;
	_ =	sdelay $0x1  }
0x84: {  	s29 =	simm.s32 $0x0;
	[tilespmem:$0x10800] =	vst v0  }
0x85: {  	[hbm4b:s9+s29] =	stream.linear.scatter [tilespmem:s25], [sflag:$0x3], $0x4000, $0x38;
	[tilespmem:$0x10810] =	vst v63  }
0x86: {  	_ =	swait.ge [sflag:s24], $0x4000  }
0x87: {  	[sflag:s24] =	ssyncset.done $0x0  }
0x88: {  	s31 =	simm.s32 $0x600;
	[sflag:s24] =	ssyncadd.s32 $0xFFFFC000  }
0x89: {  	[tilespmem:s25], [sflag:$0x1] =	stream.indirect.gather [hbm4b:s3+s16], $0x20, s31, s16, $0xb8;
	[tilespmem:$0x10810] =	vst v63  }
0x8a: {  	s31 =	simm.s32 $0x680  }
0x8b: {  	[tilespmem:s28], [sflag:$0x1] =	stream.indirect.gather [hbm4b:s3+s16], $0x20, s31, s16, $0xb8;
	[tilespmem:$0x10810] =	vst v63  }
0x8c: {  	s31 =	simm.s32 $0x700  }
0x8d: {  	[tilespmem:s30], [sflag:$0x1] =	stream.indirect.gather [hbm4b:s3+s16], $0x20, s31, s16, $0xb8;
	[tilespmem:$0x10810] =	vst v63  }
0x8e: {  	s31 =	simm.s32 $0x780  }
0x8f: {  	[tilespmem:s1], [sflag:$0x1] =	stream.indirect.gather [hbm4b:s3+s16], $0x20, s31, s16, $0xb8;
	[tilespmem:$0x10810] =	vst v63  }
0x90: {  	_ = 	snop  }
0x91: {  	[tilespmem:s0], [sflag:$0x2] =	stream.linear.gather [hbm4b:s10+s29], $0x4000, $0x38;
	[tilespmem:$0x10810] =	vst v63  }
0x92: {  	_ =	swait.ge [sflag:s19], $0x1000  }
0x93: {  	[sflag:s19] =	ssyncset.done $0x0  }
0x94: {  	[sflag:s19] =	ssyncadd.s32 $0xFFFFF000  }
0x95: {  	_ =	swait.ge [sflag:s19], $0x1000  }
0x96: {  	[sflag:s19] =	ssyncset.done $0x0  }
0x97: {  	[sflag:s19] =	ssyncadd.s32 $0xFFFFF000  }
0x98: {  	_ =	swait.ge [sflag:s19], $0x1000  }
0x99: {  	[sflag:s19] =	ssyncset.done $0x0  }
0x9a: {  	[sflag:s19] =	ssyncadd.s32 $0xFFFFF000  }
0x9b: {  	_ =	swait.ge [sflag:s19], $0x1000  }
0x9c: {  	[sflag:s19] =	ssyncset.done $0x0  }
0x9d: {  	[sflag:s19] =	ssyncadd.s32 $0xFFFFF000  }
0x9e: {  	_ =	swait.ge [sflag:s21], $0x4000  }
0x9f: {  	[sflag:s21] =	ssyncset.done $0x0  }
0xa0: {  	s29 =	simm.s32 $0x0;
	[sflag:s21] =	ssyncadd.s32 $0xFFFFC000  }
0xa1: {  	v0 =	vld [tilespmem:s29+$0x810]  }
0xa2: {  	v1 =	vld [tilespmem:s29+$0x8810]  }
0xa3: {  	v2 =	vld [tilespmem:s29+$0x800]  }
0xa4: {  	v4 =	vld [tilespmem:s29+$0x8800];
	_ =	sdelay $0x1  }
0xa5: {  	s31 =	simm.s32 $0x20  }
0xa6: {  	v3 =	vld [tilespmem:s31+$0x8810];
	v1 =	vsub.f32 v0, v1  }
0xa7: {  	v0 =	vld [tilespmem:s31+$0x810]  }
0xa8: {  	v5 =	vld [tilespmem:s31+$0x8800];
	v2 =	vsub.f32 v2, v4;
	v7 =	vmul.f32 v1, v1  }
0xa9: {  	v4 =	vld [tilespmem:s31+$0x800];
	v1 =	vimm.f32 $0.0e+00  }
0xaa: {  	s29 =	simm.s32 $0x100;
	v6 =	vmul.f32 v2, v2;
	v2 =	vadd.f32 v7, v1  }
.LBB2_6:
0xab: {  	s31 =	sshra.s32 s29, $0x2;
	p0 =	sne.s32 s29, $0xFF80  }
.Ltmp2:
0xac: {  	s29 =	sadd.s32 $0x80, s29;
	v7 =	vsub.f32 v0, v3;
	v0 =	vld [tilespmem:s31+$0x810];
	v1 =	vadd.f32 v6, v1;
	(pc) =	sbr.rel @p0 .LBB2_6-.Ltmp2, $4  }
0xad: {  	v3 =	vld [tilespmem:s31+$0x8810]  }
0xae: {  	v6 =	vsub.f32 v4, v5;
	v4 =	vld [tilespmem:s31+$0x800];
	v7 =	vmul.f32 v7, v7  }
0xaf: {  	v5 =	vld [tilespmem:s31+$0x8800]  }
0xb0: {  	v6 =	vmul.f32 v6, v6;
	v2 =	vadd.f32 v7, v2  }
0xb1: {  	_ =	sdelay $0x2  }
0xb2: {  	v0 =	vsub.f32 v0, v3;
	v3 =	vsub.f32 v4, v5;
	_ =	sdelay $0x1  }
0xb3: {  	v1 =	vadd.f32 v6, v1;
	v0 =	vmul.f32 v0, v0;
	v3 =	vmul.f32 v3, v3  }
0xb4: {  	v4 =	vld [tilespmem:$0x10800]  }
0xb5: {  	v0 =	vadd.f32 v0, v2;
	v1 =	vadd.f32 v3, v1;
	_ =	sdelay $0x1  }
0xb6: {  	v0 =	vadd.f32 v0, v1;
	_ =	sdelay $0x1  }
0xb7: {  	v0 =	vadd.f32 v4, v0;
	_ =	sdelay $0x1  }
0xb8: {  	[tilespmem:$0x10800] =	vst v0  }
0xb9: {  	[hbm4b:s11+s2] =	stream.linear.scatter [tilespmem:s17], [sflag:$0x3], $0x4000, $0x38;
	[tilespmem:$0x10810] =	vst v63  }
0xba: {  	_ =	swait.ge [sflag:s19], $0x1000  }
0xbb: {  	[sflag:s19] =	ssyncset.done $0x0  }
0xbc: {  	[sflag:s19] =	ssyncadd.s32 $0xFFFFF000  }
0xbd: {  	_ =	swait.ge [sflag:s19], $0x1000  }
0xbe: {  	[sflag:s19] =	ssyncset.done $0x0  }
0xbf: {  	[sflag:s19] =	ssyncadd.s32 $0xFFFFF000  }
0xc0: {  	_ =	swait.ge [sflag:s19], $0x1000  }
0xc1: {  	[sflag:s19] =	ssyncset.done $0x0  }
0xc2: {  	[sflag:s19] =	ssyncadd.s32 $0xFFFFF000  }
0xc3: {  	_ =	swait.ge [sflag:s19], $0x1000  }
0xc4: {  	[sflag:s19] =	ssyncset.done $0x0  }
0xc5: {  	[sflag:s19] =	ssyncadd.s32 $0xFFFFF000  }
0xc6: {  	_ =	swait.ge [sflag:s21], $0x4000  }
0xc7: {  	[sflag:s21] =	ssyncset.done $0x0  }
0xc8: {  	s29 =	simm.s32 $0xFFFFC000;
	[sflag:s21] =	ssyncadd.s32 $0xFFFFC000  }
0xc9: {  	v0 =	vld [tilespmem:s29+$0x8810]  }
0xca: {  	v1 =	vld [tilespmem:s29+$0x10810]  }
0xcb: {  	v2 =	vld [tilespmem:s29+$0x8800]  }
0xcc: {  	v4 =	vld [tilespmem:s29+$0x10800];
	_ =	sdelay $0x1  }
0xcd: {  	s31 =	simm.s32 $0xFFFFC020  }
0xce: {  	v3 =	vld [tilespmem:s31+$0x10810];
	v1 =	vsub.f32 v0, v1  }
0xcf: {  	v0 =	vld [tilespmem:s31+$0x8810]  }
0xd0: {  	v5 =	vld [tilespmem:s31+$0x10800];
	v2 =	vsub.f32 v2, v4;
	v7 =	vmul.f32 v1, v1  }
0xd1: {  	v4 =	vld [tilespmem:s31+$0x8800];
	v1 =	vimm.f32 $0.0e+00  }
0xd2: {  	s29 =	simm.s32 $0xFFFF0100;
	v6 =	vmul.f32 v2, v2;
	v2 =	vadd.f32 v7, v1  }
.LBB2_8:
0xd3: {  	s31 =	sshra.s32 s29, $0x2;
	p0 =	sne.s32 s29, $0xFFFFFF80  }
.Ltmp3:
0xd4: {  	s29 =	sadd.s32 $0x80, s29;
	v7 =	vsub.f32 v0, v3;
	v0 =	vld [tilespmem:s31+$0x8810];
	v1 =	vadd.f32 v6, v1;
	(pc) =	sbr.rel @p0 .LBB2_8-.Ltmp3, $4  }
0xd5: {  	v3 =	vld [tilespmem:s31+$0x10810]  }
0xd6: {  	v6 =	vsub.f32 v4, v5;
	v4 =	vld [tilespmem:s31+$0x8800];
	v7 =	vmul.f32 v7, v7  }
0xd7: {  	v5 =	vld [tilespmem:s31+$0x10800]  }
0xd8: {  	v6 =	vmul.f32 v6, v6;
	v2 =	vadd.f32 v7, v2  }
0xd9: {  	_ =	sdelay $0x2  }
0xda: {  	v0 =	vsub.f32 v0, v3;
	v62 =	vsub.f32 v4, v5;
	_ =	sdelay $0x1  }
0xdb: {  	v1 =	vadd.f32 v6, v1;
	v0 =	vmul.f32 v0, v0;
	v3 =	vmul.f32 v62, v62  }
0xdc: {  	v63 =	vld [tilespmem:$0x10800]  }
0xdd: {  	v0 =	vadd.f32 v0, v2;
	v1 =	vadd.f32 v3, v1;
	_ =	sdelay $0x1  }
0xde: {  	v0 =	vadd.f32 v0, v1;
	_ =	sdelay $0x1  }
0xdf: {  	v0 =	vadd.f32 v63, v0;
	_ =	sdelay $0x1  }
0xe0: {  	[tilespmem:$0x10800] =	vst v0  }
0xe1: {  	[hbm4b:s12+s2] =	stream.linear.scatter [tilespmem:s25], [sflag:$0x3], $0x4000, $0x38;
	[tilespmem:$0x10810] =	vst v63  }
0xe2: {  	_ =	swait.ge [sflag:s24], $0x4000  }
0xe3: {  	[sflag:s24] =	ssyncset.done $0x0  }
0xe4: {  	[sflag:s24] =	ssyncadd.s32 $0xFFFFC000  }
0xe5: {  	s26 =	sadd.s32 $0x1, s26;
	_ =	swait.ge [sflag:s24], $0x4000  }
0xe6: {  	p0 =	sne.s32 s26, s14;
	[sflag:s24] =	ssyncset.done $0x0  }
.Ltmp4:
0xe7: {  	s29 =	simm.s32 $0x10800;
	[sflag:s24] =	ssyncadd.s32 $0xFFFFC000;
	(pc) =	sbr.rel @p0 .LBB2_1-.Ltmp4, $4  }
0xe8: {  	[hbm4b:s13+s2] =	stream.linear.scatter [tilespmem:s29], [sflag:$0x4], $0x10, $0x38;
	[tilespmem:$0x10810] =	vst v63  }
0xe9: {  	_ =	swait.ge [sflag:s15], $0x10  }
0xea: {  	[sflag:s15] =	ssyncset.done $0x0  }
0xeb: {  	[sflag:s15] =	ssyncadd.s32 $0xFFFFFFF0  }
0xec: {  	_ =	sfence.sel $0x180000  }
0xed: {  	[bflag:$0x0] =	sbarrier.arrive $0xFFFF  }
0xee: {  	_ =	strace $0x90000047  }
0xef: {  	s0 =	stileid.u32;
	[bflag:$0x2] =	sbarrier.arrive $0xFFFF  }
0xf0: {  	p0 =	sne.s32 s0, $0x0;
	s0 =	rddreg [dreg:$0x2]  }
0xf1: {  	s0 =	sadd.s32 @!p0 $0x100000, s0  }
0xf2: {  	[sflag:s0] =	ssyncadd.tile.s32 @!p0 $0x1;
	_ =	shalt  }
.Lfunc_end2:
_tile_overlayer_lowered:
.L_overlay_start_2:
0xf3: {  	(tag) =	ssettag $0x2  }
0xf4: {  	s0 =	rddreg [dreg:$0x0];
	s2 =	stileid.u32  }
0xf5: {  	s1 =	rddreg [dreg:$0x1];
	p0 =	sne.s32 s2, $0x0  }
0xf6: {  	s3 =	rddreg [dreg:$0x2];
	[bflag:$0x3] =	sbarrier.arrive $0xFFFF;
	s2 =	simm.s32 @!p0 $0x1C04  }
0xf7: {  	[timem:s3], [sflag:s2] =	dma.local @!p0 [hbm:s0], s1  }
0xf8: {  	s0 =	simm.s32 @!p0 $0x4  }
0xf9: {  	_ =	swait.ge @!p0 [sflag:s0], s1  }
0xfa: {  	s1 =	ssub.s32 @!p0 $0x0, s1;
	[sflag:s0] =	ssyncset.done @!p0 $0x0  }
0xfb: {  	[sflag:s0] =	ssyncadd.s32 @!p0 s1  }
0xfc: {  	[bflag:$0x3] =	sbarrier.arrive $0xFFFF  }
0xfd: {  	_ =	shalt  }

</sc_bundles>
